<compile_context>
chip_gen: v7x
topology: tpu7x:2x2x1
jax: 0.10.2.dev20260603
libtpu: 0.0.44.dev20260713+nightly
codegen_flags: <defaults>
</compile_context>

<pallas_src>
import jax
import jax.numpy as jnp
from jax.experimental import pallas as pl
from jax.experimental.pallas import tpu as pltpu

_B, _N, _DIN = 16, 1024, 128
_GPB = 2
_NB = _B // _GPB
_H = _N // 2


def _lrelu(x):
    return jnp.where(x >= 0, x, x * 0.01)


def _pass0_body(gt_ref, gb_ref, x_ref, w0_ref, b0_ref, h1_ref):
    for j in range(_GPB):
        t = jnp.dot(x_ref[j], w0_ref[...],
                    preferred_element_type=jnp.float32).astype(jnp.bfloat16)
        for g_ref, sl in ((gt_ref, slice(0, _H)), (gb_ref, slice(_H, _N))):
            a = jnp.dot(g_ref[j, 0], t, preferred_element_type=jnp.float32)
            h1_ref[j, sl] = _lrelu(a + b0_ref[...]).astype(jnp.bfloat16)


def _pass_mid_body(gt_ref, gb_ref, h_ref, w_ref, b_ref, o_ref):
    for j in range(_GPB):
        h = h_ref[j]
        for g_ref, sl in ((gt_ref, slice(0, _H)), (gb_ref, slice(_H, _N))):
            a = jnp.dot(g_ref[j, 0], h, preferred_element_type=jnp.float32)
            z = jnp.dot(a.astype(jnp.bfloat16), w_ref[...],
                        preferred_element_type=jnp.float32) + b_ref[...]
            o_ref[j, sl] = _lrelu(z).astype(jnp.bfloat16)


def _pass3_body(gt_ref, gb_ref, h_ref, w3_ref, b3_ref, wagg_ref, bagg_ref,
                pool_ref):
    for j in range(_GPB):
        h = h_ref[j]
        acc = None
        for g_ref in (gt_ref, gb_ref):
            a = jnp.dot(g_ref[j, 0], h, preferred_element_type=jnp.float32)
            h4 = _lrelu(jnp.dot(a.astype(jnp.bfloat16), w3_ref[...],
                                preferred_element_type=jnp.float32)
                        + b3_ref[...])
            h5 = _lrelu(jnp.dot(h4.astype(jnp.bfloat16), wagg_ref[...],
                                preferred_element_type=jnp.float32)
                        + bagg_ref[...])
            part = jnp.sum(h5, axis=0, keepdims=True)
            acc = part if acc is None else acc + part
        pool_ref[j] = acc


def _head_body(p_ref, wfc_ref, bfc_ref, wout_ref, bout_ref, o_ref):
    z = _lrelu(jnp.dot(p_ref[...], wfc_ref[...],
                       preferred_element_type=jnp.float32) + bfc_ref[...])
    o_ref[...] = (jnp.dot(z, wout_ref[...], preferred_element_type=jnp.float32)
                  + bout_ref[...])


def _full(shape):
    return pl.BlockSpec(shape, lambda b: tuple(0 for _ in shape))


def _step_block(shape):
    return pl.BlockSpec(shape, lambda b: (b,) + tuple(0 for _ in shape[1:]))


def _half_block(half):
    return pl.BlockSpec((_GPB, 1, _H, _N), lambda b: (b, half, 0, 0))


def kernel(adj_list, feats, W_conv0, b_conv0, W_conv1, b_conv1, W_conv2,
           b_conv2, W_conv3, b_conv3, W_agg, b_agg, W_fc, b_fc, W_out, b_out):
    G = jnp.squeeze(adj_list, axis=-1).astype(jnp.bfloat16)
    G4 = jnp.reshape(G, (_B, 2, _H, _N))
    b0 = jnp.reshape(b_conv0, (1, -1))
    b1 = jnp.reshape(b_conv1, (1, -1))
    b2 = jnp.reshape(b_conv2, (1, -1))
    b3 = jnp.reshape(b_conv3, (1, -1))
    bagg = jnp.reshape(b_agg, (1, -1))
    bfc = jnp.reshape(b_fc, (1, -1))
    bout = jnp.reshape(b_out, (1, -1))

    params = pltpu.CompilerParams(dimension_semantics=("arbitrary",))

    def gspecs():
        return [_half_block(0), _half_block(1)]

    h1 = pl.pallas_call(
        _pass0_body,
        grid=(_NB,),
        in_specs=gspecs() + [
            _step_block((_GPB, _N, _DIN)),
            _full(W_conv0.shape),
            _full(b0.shape),
        ],
        out_specs=_step_block((_GPB, _N, 64)),
        out_shape=jax.ShapeDtypeStruct((_B, _N, 64), jnp.bfloat16),
        compiler_params=params,
    )(G4, G4, feats, W_conv0, b0)

    def mid(h, W, b, dout):
        return pl.pallas_call(
            _pass_mid_body,
            grid=(_NB,),
            in_specs=gspecs() + [
                _step_block((_GPB, _N, h.shape[-1])),
                _full(W.shape),
                _full(b.shape),
            ],
            out_specs=_step_block((_GPB, _N, dout)),
            out_shape=jax.ShapeDtypeStruct((_B, _N, dout), jnp.bfloat16),
            compiler_params=params,
        )(G4, G4, h, W, b)

    h2 = mid(h1, W_conv1, b1, 64)
    h3 = mid(h2, W_conv2, b2, 128)

    pool = pl.pallas_call(
        _pass3_body,
        grid=(_NB,),
        in_specs=gspecs() + [
            _step_block((_GPB, _N, 128)),
            _full(W_conv3.shape),
            _full(b3.shape),
            _full(W_agg.shape),
            _full(bagg.shape),
        ],
        out_specs=_step_block((_GPB, 1, 72)),
        out_shape=jax.ShapeDtypeStruct((_B, 1, 72), jnp.float32),
        compiler_params=params,
    )(G4, G4, h3, W_conv3, b3, W_agg, bagg)
    pool = jnp.reshape(pool, (_B, 72))

    out = pl.pallas_call(
        _head_body,
        grid=(1,),
        in_specs=[
            _full((_B, 72)),
            _full(W_fc.shape),
            _full(bfc.shape),
            _full(W_out.shape),
            _full(bout.shape),
        ],
        out_specs=_full((_B, 64)),
        out_shape=jax.ShapeDtypeStruct((_B, 64), jnp.float32),
        compiler_params=params,
    )(pool, W_fc, bfc, W_out, bout)

    return out

# --- scband reference (transcript-rebuilt; emitter-appended) ---
"""Pipeline reference for scband-encoder-29618094473513 (READ-ONLY COPY).

The authoritative reference and input builder live on the scoring server;
editing this copy changes nothing except your own understanding.
"""

import jax, jax.numpy as jnp
import numpy as np

B, N, DIN = 16, 1024, 128
CONV_DIMS = [64, 64]
CONV_DIMS_AFTER = [128, 128]
GATHER_DIM = 72
LINEAR_DIM = [32]
OUT_DIM = 64


def _glorot(key, shape):
    fan_in, fan_out = shape[0], shape[1]
    lim = float(np.sqrt(6.0 / (fan_in + fan_out)))
    return jax.random.uniform(key, shape, dtype=jnp.float32, minval=-lim, maxval=lim)


def setup_inputs(seed: int = 0) -> dict:
    key = jax.random.key(seed)
    ks = jax.random.split(key, 20)
    inp = {}
    # forward inputs: x = (adj_list, feats)
    inp["adj_list"] = jax.random.uniform(ks[0], (B, N, N, 1), dtype=jnp.float32)
    inp["feats"] = jax.random.normal(ks[1], (B, N, DIN), dtype=jnp.float32)
    # learned params: 4 GIN-style graph conv layers
    dims = [DIN] + CONV_DIMS + CONV_DIMS_AFTER
    for i in range(4):
        inp[f"W_conv{i}"] = _glorot(ks[2 + 2 * i], (dims[i], dims[i + 1]))
        inp[f"b_conv{i}"] = jnp.zeros((dims[i + 1],), dtype=jnp.float32)
    # AggLayer (gather='agg'): linear to gather_dim then sum-pool over nodes
    inp["W_agg"] = _glorot(ks[10], (dims[-1], GATHER_DIM))
    inp["b_agg"] = jnp.zeros((GATHER_DIM,), dtype=jnp.float32)
    # FCLayer
    inp["W_fc"] = _glorot(ks[11], (GATHER_DIM, LINEAR_DIM[0]))
    inp["b_fc"] = jnp.zeros((LINEAR_DIM[0],), dtype=jnp.float32)
    # output layer
    inp["W_out"] = _glorot(ks[12], (LINEAR_DIM[0], OUT_DIM))
    inp["b_out"] = jnp.zeros((OUT_DIM,), dtype=jnp.float32)
    return inp


def reference(adj_list, feats, W_conv0, b_conv0, W_conv1, b_conv1,
              W_conv2, b_conv2, W_conv3, b_conv3,
              W_agg, b_agg, W_fc, b_fc, W_out, b_out):
    # nedges == 1 -> G = G.squeeze(-1)
    G = jnp.squeeze(adj_list, axis=-1)  # [B, N, N]
    h = feats                           # [B, N, DIN]
    # conv_layers1 + conv_layers2 (GINLayer: aggregate neighbors then MLP+activation;
    # dropout is identity in eval, b_norm=False)
    for W, b in ((W_conv0, b_conv0), (W_conv1, b_conv1),
                 (W_conv2, b_conv2), (W_conv3, b_conv3)):
        agg = jnp.einsum('bij,bjd->bid', G, h)
        h = jax.nn.leaky_relu(agg @ W + b)
    # AggLayer: per-node projection + sum pooling over nodes -> per-graph embedding
    h = jax.nn.leaky_relu(h @ W_agg + b_agg)
    h_batch = jnp.sum(h, axis=1)  # [B, GATHER_DIM] (matches torch.cat over per-graph results)
    # linear_layers
    h_batch = jax.nn.leaky_relu(h_batch @ W_fc + b_fc)
    # output_layer
    return h_batch @ W_out + b_out

if __name__ == "__main__":
    import jax
    _d = setup_inputs()
    print(jax.jit(kernel)(*tuple(_d.values())))

</pallas_src>

<mosaic_0001>
module attributes {stable_mosaic.version = 14 : i64} {
  func.func @_pass0_body(%arg0: i32, %arg1: memref<2x1x512x1024xbf16, #tpu.memory_space<vmem>>, %arg2: memref<2x1x512x1024xbf16, #tpu.memory_space<vmem>>, %arg3: memref<2x1024x128xf32, #tpu.memory_space<vmem>>, %arg4: memref<128x64xf32, #tpu.memory_space<vmem>>, %arg5: memref<1x64xf32, #tpu.memory_space<vmem>>, %arg6: memref<2x1024x64xbf16, #tpu.memory_space<vmem>>) attributes {dimension_semantics = [#tpu.dimension_semantics<arbitrary>], iteration_bounds = array<i64: 8>, scalar_prefetch = 0 : i64, scratch_operands = 0 : i64, tpu.core_type = #tpu.core_type<tc>, window_params = [{transform_indices = @transform_0, window_bounds = array<i64: 2, 1, 512, 1024>}, {transform_indices = @transform_1, window_bounds = array<i64: 2, 1, 512, 1024>}, {transform_indices = @transform_2, window_bounds = array<i64: 2, 1024, 128>}, {pipeline_mode = #tpu.pipeline_mode<synchronous>, transform_indices = @transform_3, window_bounds = array<i64: 128, 64>}, {pipeline_mode = #tpu.pipeline_mode<synchronous>, transform_indices = @transform_4, window_bounds = array<i64: 1, 64>}, {transform_indices = @transform_5, window_bounds = array<i64: 2, 1024, 64>}]} {
    %get3A = arith.constant 0 : index
    %get3A_0 = arith.constant 0 : index
    %get3A_1 = arith.constant 0 : index
    %get3A_2 = vector.load %arg3[%get3A, %get3A_0, %get3A_1] : memref<2x1024x128xf32, #tpu.memory_space<vmem>>, vector<1x1024x128xf32>
    %get3A_3 = vector.shape_cast %get3A_2 : vector<1x1024x128xf32> to vector<1024x128xf32>
    %get3A_4 = arith.constant 0 : index
    %get3A_5 = arith.constant 0 : index
    %get3A_6 = vector.load %arg4[%get3A_4, %get3A_5] : memref<128x64xf32, #tpu.memory_space<vmem>>, vector<128x64xf32>
    %dot_general3A = arith.constant dense<0.000000e+00> : vector<1024x64xf32>
    %dot_general3A_7 = tpu.matmul %get3A_3, %get3A_6, %dot_general3A {dimension_numbers = #tpu.dot_dimension_numbers<[1], [0], [0], [1], [0, 0, 1, 1], [], []>, transpose_lhs_hint = false} : vector<1024x128xf32>, vector<128x64xf32>, vector<1024x64xf32> -> vector<1024x64xf32>
    %convert_element_type3A = arith.truncf %dot_general3A_7 : vector<1024x64xf32> to vector<1024x64xbf16>
    %get3A_8 = arith.constant 0 : index
    %get3A_9 = arith.constant 0 : index
    %get3A_10 = arith.constant 0 : index
    %get3A_11 = arith.constant 0 : index
    %get3A_12 = vector.load %arg1[%get3A_8, %get3A_9, %get3A_10, %get3A_11] : memref<2x1x512x1024xbf16, #tpu.memory_space<vmem>>, vector<1x1x512x1024xbf16>
    %get3A_13 = vector.shape_cast %get3A_12 : vector<1x1x512x1024xbf16> to vector<512x1024xbf16>
    %dot_general3A_14 = arith.constant dense<0.000000e+00> : vector<512x64xf32>
    %dot_general3A_15 = tpu.matmul %get3A_13, %convert_element_type3A, %dot_general3A_14 {dimension_numbers = #tpu.dot_dimension_numbers<[1], [0], [0], [1], [0, 0, 1, 1], [], []>, transpose_lhs_hint = false} : vector<512x1024xbf16>, vector<1024x64xbf16>, vector<512x64xf32> -> vector<512x64xf32>
    %get3A_16 = arith.constant 0 : index
    %get3A_17 = arith.constant 0 : index
    %get3A_18 = vector.load %arg5[%get3A_16, %get3A_17] : memref<1x64xf32, #tpu.memory_space<vmem>>, vector<1x64xf32>
    %add3A = vector.broadcast %get3A_18 : vector<1x64xf32> to vector<512x64xf32>
    %add3A_19 = arith.addf %dot_general3A_15, %add3A : vector<512x64xf32>
    %ge3A = arith.constant 0.000000e+00 : f32
    %ge3A_20 = vector.broadcast %ge3A : f32 to vector<512x64xf32>
    %ge3A_21 = arith.cmpf oge, %add3A_19, %ge3A_20 : vector<512x64xf32>
    %mul3A = arith.constant 0.00999999977 : f32
    %mul3A_22 = vector.broadcast %mul3A : f32 to vector<512x64xf32>
    %mul3A_23 = arith.mulf %add3A_19, %mul3A_22 : vector<512x64xf32>
    %select_n3A = arith.select %ge3A_21, %add3A_19, %mul3A_23 : vector<512x64xi1>, vector<512x64xf32>
    %convert_element_type3A_24 = arith.truncf %select_n3A : vector<512x64xf32> to vector<512x64xbf16>
    %swap3A = arith.constant 0 : index
    %swap3A_25 = arith.constant 0 : index
    %swap3A_26 = arith.constant 0 : index
    %swap3A_27 = vector.load %arg6[%swap3A, %swap3A_25, %swap3A_26] : memref<2x1024x64xbf16, #tpu.memory_space<vmem>>, vector<1x512x64xbf16>
    %swap3A_28 = vector.shape_cast %swap3A_27 : vector<1x512x64xbf16> to vector<512x64xbf16>
    %swap3A_29 = vector.shape_cast %convert_element_type3A_24 : vector<512x64xbf16> to vector<1x512x64xbf16>
    tpu.vector_store %arg6[%swap3A, %swap3A_25, %swap3A_26], %swap3A_29 {strides = array<i32>} : memref<2x1024x64xbf16, #tpu.memory_space<vmem>>, vector<1x512x64xbf16>,
    %get3A_30 = arith.constant 0 : index
    %get3A_31 = arith.constant 0 : index
    %get3A_32 = arith.constant 0 : index
    %get3A_33 = arith.constant 0 : index
    %get3A_34 = vector.load %arg2[%get3A_30, %get3A_31, %get3A_32, %get3A_33] : memref<2x1x512x1024xbf16, #tpu.memory_space<vmem>>, vector<1x1x512x1024xbf16>
    %get3A_35 = vector.shape_cast %get3A_34 : vector<1x1x512x1024xbf16> to vector<512x1024xbf16>
    %dot_general3A_36 = arith.constant dense<0.000000e+00> : vector<512x64xf32>
    %dot_general3A_37 = tpu.matmul %get3A_35, %convert_element_type3A, %dot_general3A_36 {dimension_numbers = #tpu.dot_dimension_numbers<[1], [0], [0], [1], [0, 0, 1, 1], [], []>, transpose_lhs_hint = false} : vector<512x1024xbf16>, vector<1024x64xbf16>, vector<512x64xf32> -> vector<512x64xf32>
    %get3A_38 = arith.constant 0 : index
    %get3A_39 = arith.constant 0 : index
    %get3A_40 = vector.load %arg5[%get3A_38, %get3A_39] : memref<1x64xf32, #tpu.memory_space<vmem>>, vector<1x64xf32>
    %add3A_41 = vector.broadcast %get3A_40 : vector<1x64xf32> to vector<512x64xf32>
    %add3A_42 = arith.addf %dot_general3A_37, %add3A_41 : vector<512x64xf32>
    %ge3A_43 = arith.constant 0.000000e+00 : f32
    %ge3A_44 = vector.broadcast %ge3A_43 : f32 to vector<512x64xf32>
    %ge3A_45 = arith.cmpf oge, %add3A_42, %ge3A_44 : vector<512x64xf32>
    %mul3A_46 = arith.constant 0.00999999977 : f32
    %mul3A_47 = vector.broadcast %mul3A_46 : f32 to vector<512x64xf32>
    %mul3A_48 = arith.mulf %add3A_42, %mul3A_47 : vector<512x64xf32>
    %select_n3A_49 = arith.select %ge3A_45, %add3A_42, %mul3A_48 : vector<512x64xi1>, vector<512x64xf32>
    %convert_element_type3A_50 = arith.truncf %select_n3A_49 : vector<512x64xf32> to vector<512x64xbf16>
    %swap3A_51 = arith.constant 0 : index
    %swap3A_52 = arith.constant 512 : index
    %swap3A_53 = arith.constant 0 : index
    %swap3A_54 = vector.load %arg6[%swap3A_51, %swap3A_52, %swap3A_53] : memref<2x1024x64xbf16, #tpu.memory_space<vmem>>, vector<1x512x64xbf16>
    %swap3A_55 = vector.shape_cast %swap3A_54 : vector<1x512x64xbf16> to vector<512x64xbf16>
    %swap3A_56 = vector.shape_cast %convert_element_type3A_50 : vector<512x64xbf16> to vector<1x512x64xbf16>
    tpu.vector_store %arg6[%swap3A_51, %swap3A_52, %swap3A_53], %swap3A_56 {strides = array<i32>} : memref<2x1024x64xbf16, #tpu.memory_space<vmem>>, vector<1x512x64xbf16>,
    %get3A_57 = arith.constant 1 : index
    %get3A_58 = arith.constant 0 : index
    %get3A_59 = arith.constant 0 : index
    %get3A_60 = vector.load %arg3[%get3A_57, %get3A_58, %get3A_59] : memref<2x1024x128xf32, #tpu.memory_space<vmem>>, vector<1x1024x128xf32>
    %get3A_61 = vector.shape_cast %get3A_60 : vector<1x1024x128xf32> to vector<1024x128xf32>
    %get3A_62 = arith.constant 0 : index
    %get3A_63 = arith.constant 0 : index
    %get3A_64 = vector.load %arg4[%get3A_62, %get3A_63] : memref<128x64xf32, #tpu.memory_space<vmem>>, vector<128x64xf32>
    %dot_general3A_65 = arith.constant dense<0.000000e+00> : vector<1024x64xf32>
    %dot_general3A_66 = tpu.matmul %get3A_61, %get3A_64, %dot_general3A_65 {dimension_numbers = #tpu.dot_dimension_numbers<[1], [0], [0], [1], [0, 0, 1, 1], [], []>, transpose_lhs_hint = false} : vector<1024x128xf32>, vector<128x64xf32>, vector<1024x64xf32> -> vector<1024x64xf32>
    %convert_element_type3A_67 = arith.truncf %dot_general3A_66 : vector<1024x64xf32> to vector<1024x64xbf16>
    %get3A_68 = arith.constant 1 : index
    %get3A_69 = arith.constant 0 : index
    %get3A_70 = arith.constant 0 : index
    %get3A_71 = arith.constant 0 : index
    %get3A_72 = vector.load %arg1[%get3A_68, %get3A_69, %get3A_70, %get3A_71] : memref<2x1x512x1024xbf16, #tpu.memory_space<vmem>>, vector<1x1x512x1024xbf16>
    %get3A_73 = vector.shape_cast %get3A_72 : vector<1x1x512x1024xbf16> to vector<512x1024xbf16>
    %dot_general3A_74 = arith.constant dense<0.000000e+00> : vector<512x64xf32>
    %dot_general3A_75 = tpu.matmul %get3A_73, %convert_element_type3A_67, %dot_general3A_74 {dimension_numbers = #tpu.dot_dimension_numbers<[1], [0], [0], [1], [0, 0, 1, 1], [], []>, transpose_lhs_hint = false} : vector<512x1024xbf16>, vector<1024x64xbf16>, vector<512x64xf32> -> vector<512x64xf32>
    %get3A_76 = arith.constant 0 : index
    %get3A_77 = arith.constant 0 : index
    %get3A_78 = vector.load %arg5[%get3A_76, %get3A_77] : memref<1x64xf32, #tpu.memory_space<vmem>>, vector<1x64xf32>
    %add3A_79 = vector.broadcast %get3A_78 : vector<1x64xf32> to vector<512x64xf32>
    %add3A_80 = arith.addf %dot_general3A_75, %add3A_79 : vector<512x64xf32>
    %ge3A_81 = arith.constant 0.000000e+00 : f32
    %ge3A_82 = vector.broadcast %ge3A_81 : f32 to vector<512x64xf32>
    %ge3A_83 = arith.cmpf oge, %add3A_80, %ge3A_82 : vector<512x64xf32>
    %mul3A_84 = arith.constant 0.00999999977 : f32
    %mul3A_85 = vector.broadcast %mul3A_84 : f32 to vector<512x64xf32>
    %mul3A_86 = arith.mulf %add3A_80, %mul3A_85 : vector<512x64xf32>
    %select_n3A_87 = arith.select %ge3A_83, %add3A_80, %mul3A_86 : vector<512x64xi1>, vector<512x64xf32>
    %convert_element_type3A_88 = arith.truncf %select_n3A_87 : vector<512x64xf32> to vector<512x64xbf16>
    %swap3A_89 = arith.constant 1 : index
    %swap3A_90 = arith.constant 0 : index
    %swap3A_91 = arith.constant 0 : index
    %swap3A_92 = vector.load %arg6[%swap3A_89, %swap3A_90, %swap3A_91] : memref<2x1024x64xbf16, #tpu.memory_space<vmem>>, vector<1x512x64xbf16>
    %swap3A_93 = vector.shape_cast %swap3A_92 : vector<1x512x64xbf16> to vector<512x64xbf16>
    %swap3A_94 = vector.shape_cast %convert_element_type3A_88 : vector<512x64xbf16> to vector<1x512x64xbf16>
    tpu.vector_store %arg6[%swap3A_89, %swap3A_90, %swap3A_91], %swap3A_94 {strides = array<i32>} : memref<2x1024x64xbf16, #tpu.memory_space<vmem>>, vector<1x512x64xbf16>,
    %get3A_95 = arith.constant 1 : index
    %get3A_96 = arith.constant 0 : index
    %get3A_97 = arith.constant 0 : index
    %get3A_98 = arith.constant 0 : index
    %get3A_99 = vector.load %arg2[%get3A_95, %get3A_96, %get3A_97, %get3A_98] : memref<2x1x512x1024xbf16, #tpu.memory_space<vmem>>, vector<1x1x512x1024xbf16>
    %get3A_100 = vector.shape_cast %get3A_99 : vector<1x1x512x1024xbf16> to vector<512x1024xbf16>
    %dot_general3A_101 = arith.constant dense<0.000000e+00> : vector<512x64xf32>
    %dot_general3A_102 = tpu.matmul %get3A_100, %convert_element_type3A_67, %dot_general3A_101 {dimension_numbers = #tpu.dot_dimension_numbers<[1], [0], [0], [1], [0, 0, 1, 1], [], []>, transpose_lhs_hint = false} : vector<512x1024xbf16>, vector<1024x64xbf16>, vector<512x64xf32> -> vector<512x64xf32>
    %get3A_103 = arith.constant 0 : index
    %get3A_104 = arith.constant 0 : index
    %get3A_105 = vector.load %arg5[%get3A_103, %get3A_104] : memref<1x64xf32, #tpu.memory_space<vmem>>, vector<1x64xf32>
    %add3A_106 = vector.broadcast %get3A_105 : vector<1x64xf32> to vector<512x64xf32>
    %add3A_107 = arith.addf %dot_general3A_102, %add3A_106 : vector<512x64xf32>
    %ge3A_108 = arith.constant 0.000000e+00 : f32
    %ge3A_109 = vector.broadcast %ge3A_108 : f32 to vector<512x64xf32>
    %ge3A_110 = arith.cmpf oge, %add3A_107, %ge3A_109 : vector<512x64xf32>
    %mul3A_111 = arith.constant 0.00999999977 : f32
    %mul3A_112 = vector.broadcast %mul3A_111 : f32 to vector<512x64xf32>
    %mul3A_113 = arith.mulf %add3A_107, %mul3A_112 : vector<512x64xf32>
    %select_n3A_114 = arith.select %ge3A_110, %add3A_107, %mul3A_113 : vector<512x64xi1>, vector<512x64xf32>
    %convert_element_type3A_115 = arith.truncf %select_n3A_114 : vector<512x64xf32> to vector<512x64xbf16>
    %swap3A_116 = arith.constant 1 : index
    %swap3A_117 = arith.constant 512 : index
    %swap3A_118 = arith.constant 0 : index
    %swap3A_119 = vector.load %arg6[%swap3A_116, %swap3A_117, %swap3A_118] : memref<2x1024x64xbf16, #tpu.memory_space<vmem>>, vector<1x512x64xbf16>
    %swap3A_120 = vector.shape_cast %swap3A_119 : vector<1x512x64xbf16> to vector<512x64xbf16>
    %swap3A_121 = vector.shape_cast %convert_element_type3A_115 : vector<512x64xbf16> to vector<1x512x64xbf16>
    tpu.vector_store %arg6[%swap3A_116, %swap3A_117, %swap3A_118], %swap3A_121 {strides = array<i32>} : memref<2x1024x64xbf16, #tpu.memory_space<vmem>>, vector<1x512x64xbf16>,
    return
  }
  func.func @transform_0(%arg0: i32) -> (i32, i32, i32, i32) {
    %c0_i32 = arith.constant 0 : i32
    %c0_i32_0 = arith.constant 0 : i32
    %c0_i32_1 = arith.constant 0 : i32
    %c0_i32_2 = arith.constant 0 : i32
    return %arg0, %c0_i32, %c0_i32_0, %c0_i32_1 : i32, i32, i32, i32
  }
  func.func @transform_1(%arg0: i32) -> (i32, i32, i32, i32) {
    %c1_i32 = arith.constant 1 : i32
    %c0_i32 = arith.constant 0 : i32
    %c0_i32_0 = arith.constant 0 : i32
    %c0_i32_1 = arith.constant 0 : i32
    return %arg0, %c1_i32, %c0_i32, %c0_i32_0 : i32, i32, i32, i32
  }
  func.func @transform_2(%arg0: i32) -> (i32, i32, i32) {
    %c0_i32 = arith.constant 0 : i32
    %c0_i32_0 = arith.constant 0 : i32
    %c0_i32_1 = arith.constant 0 : i32
    return %arg0, %c0_i32, %c0_i32_0 : i32, i32, i32
  }
  func.func @transform_3(%arg0: i32) -> (i32, i32) {
    %c0_i32 = arith.constant 0 : i32
    %c0_i32_0 = arith.constant 0 : i32
    %c0_i32_1 = arith.constant 0 : i32
    return %c0_i32, %c0_i32_0 : i32, i32
  }
  func.func @transform_4(%arg0: i32) -> (i32, i32) {
    %c0_i32 = arith.constant 0 : i32
    %c0_i32_0 = arith.constant 0 : i32
    %c0_i32_1 = arith.constant 0 : i32
    return %c0_i32, %c0_i32_0 : i32, i32
  }
  func.func @transform_5(%arg0: i32) -> (i32, i32, i32) {
    %c0_i32 = arith.constant 0 : i32
    %c0_i32_0 = arith.constant 0 : i32
    %c0_i32_1 = arith.constant 0 : i32
    return %arg0, %c0_i32, %c0_i32_0 : i32, i32, i32
  }
}

module attributes {stable_mosaic.version = 14 : i64} {
  func.func @_pass_mid_body(%arg0: i32, %arg1: memref<2x1x512x1024xbf16, #tpu.memory_space<vmem>>, %arg2: memref<2x1x512x1024xbf16, #tpu.memory_space<vmem>>, %arg3: memref<2x1024x64xbf16, #tpu.memory_space<vmem>>, %arg4: memref<64x64xf32, #tpu.memory_space<vmem>>, %arg5: memref<1x64xf32, #tpu.memory_space<vmem>>, %arg6: memref<2x1024x64xbf16, #tpu.memory_space<vmem>>) attributes {dimension_semantics = [#tpu.dimension_semantics<arbitrary>], iteration_bounds = array<i64: 8>, scalar_prefetch = 0 : i64, scratch_operands = 0 : i64, tpu.core_type = #tpu.core_type<tc>, window_params = [{transform_indices = @transform_0, window_bounds = array<i64: 2, 1, 512, 1024>}, {transform_indices = @transform_1, window_bounds = array<i64: 2, 1, 512, 1024>}, {transform_indices = @transform_2, window_bounds = array<i64: 2, 1024, 64>}, {pipeline_mode = #tpu.pipeline_mode<synchronous>, transform_indices = @transform_3, window_bounds = array<i64: 64, 64>}, {pipeline_mode = #tpu.pipeline_mode<synchronous>, transform_indices = @transform_4, window_bounds = array<i64: 1, 64>}, {transform_indices = @transform_5, window_bounds = array<i64: 2, 1024, 64>}]} {
    %get3A = arith.constant 0 : index
    %get3A_0 = arith.constant 0 : index
    %get3A_1 = arith.constant 0 : index
    %get3A_2 = vector.load %arg3[%get3A, %get3A_0, %get3A_1] : memref<2x1024x64xbf16, #tpu.memory_space<vmem>>, vector<1x1024x64xbf16>
    %get3A_3 = vector.shape_cast %get3A_2 : vector<1x1024x64xbf16> to vector<1024x64xbf16>
    %get3A_4 = arith.constant 0 : index
    %get3A_5 = arith.constant 0 : index
    %get3A_6 = arith.constant 0 : index
    %get3A_7 = arith.constant 0 : index
    %get3A_8 = vector.load %arg1[%get3A_4, %get3A_5, %get3A_6, %get3A_7] : memref<2x1x512x1024xbf16, #tpu.memory_space<vmem>>, vector<1x1x512x1024xbf16>
    %get3A_9 = vector.shape_cast %get3A_8 : vector<1x1x512x1024xbf16> to vector<512x1024xbf16>
    %dot_general3A = arith.constant dense<0.000000e+00> : vector<512x64xf32>
    %dot_general3A_10 = tpu.matmul %get3A_9, %get3A_3, %dot_general3A {dimension_numbers = #tpu.dot_dimension_numbers<[1], [0], [0], [1], [0, 0, 1, 1], [], []>, transpose_lhs_hint = false} : vector<512x1024xbf16>, vector<1024x64xbf16>, vector<512x64xf32> -> vector<512x64xf32>
    %convert_element_type3A = arith.truncf %dot_general3A_10 : vector<512x64xf32> to vector<512x64xbf16>
    %get3A_11 = arith.constant 0 : index
    %get3A_12 = arith.constant 0 : index
    %get3A_13 = vector.load %arg4[%get3A_11, %get3A_12] : memref<64x64xf32, #tpu.memory_space<vmem>>, vector<64x64xf32>
    %dot_general3A_14 = arith.constant dense<0.000000e+00> : vector<512x64xf32>
    %dot_general3A_15 = tpu.matmul %convert_element_type3A, %get3A_13, %dot_general3A_14 {dimension_numbers = #tpu.dot_dimension_numbers<[1], [0], [0], [1], [0, 0, 1, 1], [], []>, transpose_lhs_hint = false} : vector<512x64xbf16>, vector<64x64xf32>, vector<512x64xf32> -> vector<512x64xf32>
    %get3A_16 = arith.constant 0 : index
    %get3A_17 = arith.constant 0 : index
    %get3A_18 = vector.load %arg5[%get3A_16, %get3A_17] : memref<1x64xf32, #tpu.memory_space<vmem>>, vector<1x64xf32>
    %add3A = vector.broadcast %get3A_18 : vector<1x64xf32> to vector<512x64xf32>
    %add3A_19 = arith.addf %dot_general3A_15, %add3A : vector<512x64xf32>
    %ge3A = arith.constant 0.000000e+00 : f32
    %ge3A_20 = vector.broadcast %ge3A : f32 to vector<512x64xf32>
    %ge3A_21 = arith.cmpf oge, %add3A_19, %ge3A_20 : vector<512x64xf32>
    %mul3A = arith.constant 0.00999999977 : f32
    %mul3A_22 = vector.broadcast %mul3A : f32 to vector<512x64xf32>
    %mul3A_23 = arith.mulf %add3A_19, %mul3A_22 : vector<512x64xf32>
    %select_n3A = arith.select %ge3A_21, %add3A_19, %mul3A_23 : vector<512x64xi1>, vector<512x64xf32>
    %convert_element_type3A_24 = arith.truncf %select_n3A : vector<512x64xf32> to vector<512x64xbf16>
    %swap3A = arith.constant 0 : index
    %swap3A_25 = arith.constant 0 : index
    %swap3A_26 = arith.constant 0 : index
    %swap3A_27 = vector.load %arg6[%swap3A, %swap3A_25, %swap3A_26] : memref<2x1024x64xbf16, #tpu.memory_space<vmem>>, vector<1x512x64xbf16>
    %swap3A_28 = vector.shape_cast %swap3A_27 : vector<1x512x64xbf16> to vector<512x64xbf16>
    %swap3A_29 = vector.shape_cast %convert_element_type3A_24 : vector<512x64xbf16> to vector<1x512x64xbf16>
    tpu.vector_store %arg6[%swap3A, %swap3A_25, %swap3A_26], %swap3A_29 {strides = array<i32>} : memref<2x1024x64xbf16, #tpu.memory_space<vmem>>, vector<1x512x64xbf16>,
    %get3A_30 = arith.constant 0 : index
    %get3A_31 = arith.constant 0 : index
    %get3A_32 = arith.constant 0 : index
    %get3A_33 = arith.constant 0 : index
    %get3A_34 = vector.load %arg2[%get3A_30, %get3A_31, %get3A_32, %get3A_33] : memref<2x1x512x1024xbf16, #tpu.memory_space<vmem>>, vector<1x1x512x1024xbf16>
    %get3A_35 = vector.shape_cast %get3A_34 : vector<1x1x512x1024xbf16> to vector<512x1024xbf16>
    %dot_general3A_36 = arith.constant dense<0.000000e+00> : vector<512x64xf32>
    %dot_general3A_37 = tpu.matmul %get3A_35, %get3A_3, %dot_general3A_36 {dimension_numbers = #tpu.dot_dimension_numbers<[1], [0], [0], [1], [0, 0, 1, 1], [], []>, transpose_lhs_hint = false} : vector<512x1024xbf16>, vector<1024x64xbf16>, vector<512x64xf32> -> vector<512x64xf32>
    %convert_element_type3A_38 = arith.truncf %dot_general3A_37 : vector<512x64xf32> to vector<512x64xbf16>
    %get3A_39 = arith.constant 0 : index
    %get3A_40 = arith.constant 0 : index
    %get3A_41 = vector.load %arg4[%get3A_39, %get3A_40] : memref<64x64xf32, #tpu.memory_space<vmem>>, vector<64x64xf32>
    %dot_general3A_42 = arith.constant dense<0.000000e+00> : vector<512x64xf32>
    %dot_general3A_43 = tpu.matmul %convert_element_type3A_38, %get3A_41, %dot_general3A_42 {dimension_numbers = #tpu.dot_dimension_numbers<[1], [0], [0], [1], [0, 0, 1, 1], [], []>, transpose_lhs_hint = false} : vector<512x64xbf16>, vector<64x64xf32>, vector<512x64xf32> -> vector<512x64xf32>
    %get3A_44 = arith.constant 0 : index
    %get3A_45 = arith.constant 0 : index
    %get3A_46 = vector.load %arg5[%get3A_44, %get3A_45] : memref<1x64xf32, #tpu.memory_space<vmem>>, vector<1x64xf32>
    %add3A_47 = vector.broadcast %get3A_46 : vector<1x64xf32> to vector<512x64xf32>
    %add3A_48 = arith.addf %dot_general3A_43, %add3A_47 : vector<512x64xf32>
    %ge3A_49 = arith.constant 0.000000e+00 : f32
    %ge3A_50 = vector.broadcast %ge3A_49 : f32 to vector<512x64xf32>
    %ge3A_51 = arith.cmpf oge, %add3A_48, %ge3A_50 : vector<512x64xf32>
    %mul3A_52 = arith.constant 0.00999999977 : f32
    %mul3A_53 = vector.broadcast %mul3A_52 : f32 to vector<512x64xf32>
    %mul3A_54 = arith.mulf %add3A_48, %mul3A_53 : vector<512x64xf32>
    %select_n3A_55 = arith.select %ge3A_51, %add3A_48, %mul3A_54 : vector<512x64xi1>, vector<512x64xf32>
    %convert_element_type3A_56 = arith.truncf %select_n3A_55 : vector<512x64xf32> to vector<512x64xbf16>
    %swap3A_57 = arith.constant 0 : index
    %swap3A_58 = arith.constant 512 : index
    %swap3A_59 = arith.constant 0 : index
    %swap3A_60 = vector.load %arg6[%swap3A_57, %swap3A_58, %swap3A_59] : memref<2x1024x64xbf16, #tpu.memory_space<vmem>>, vector<1x512x64xbf16>
    %swap3A_61 = vector.shape_cast %swap3A_60 : vector<1x512x64xbf16> to vector<512x64xbf16>
    %swap3A_62 = vector.shape_cast %convert_element_type3A_56 : vector<512x64xbf16> to vector<1x512x64xbf16>
    tpu.vector_store %arg6[%swap3A_57, %swap3A_58, %swap3A_59], %swap3A_62 {strides = array<i32>} : memref<2x1024x64xbf16, #tpu.memory_space<vmem>>, vector<1x512x64xbf16>,
    %get3A_63 = arith.constant 1 : index
    %get3A_64 = arith.constant 0 : index
    %get3A_65 = arith.constant 0 : index
    %get3A_66 = vector.load %arg3[%get3A_63, %get3A_64, %get3A_65] : memref<2x1024x64xbf16, #tpu.memory_space<vmem>>, vector<1x1024x64xbf16>
    %get3A_67 = vector.shape_cast %get3A_66 : vector<1x1024x64xbf16> to vector<1024x64xbf16>
    %get3A_68 = arith.constant 1 : index
    %get3A_69 = arith.constant 0 : index
    %get3A_70 = arith.constant 0 : index
    %get3A_71 = arith.constant 0 : index
    %get3A_72 = vector.load %arg1[%get3A_68, %get3A_69, %get3A_70, %get3A_71] : memref<2x1x512x1024xbf16, #tpu.memory_space<vmem>>, vector<1x1x512x1024xbf16>
    %get3A_73 = vector.shape_cast %get3A_72 : vector<1x1x512x1024xbf16> to vector<512x1024xbf16>
    %dot_general3A_74 = arith.constant dense<0.000000e+00> : vector<512x64xf32>
    %dot_general3A_75 = tpu.matmul %get3A_73, %get3A_67, %dot_general3A_74 {dimension_numbers = #tpu.dot_dimension_numbers<[1], [0], [0], [1], [0, 0, 1, 1], [], []>, transpose_lhs_hint = false} : vector<512x1024xbf16>, vector<1024x64xbf16>, vector<512x64xf32> -> vector<512x64xf32>
    %convert_element_type3A_76 = arith.truncf %dot_general3A_75 : vector<512x64xf32> to vector<512x64xbf16>
    %get3A_77 = arith.constant 0 : index
    %get3A_78 = arith.constant 0 : index
    %get3A_79 = vector.load %arg4[%get3A_77, %get3A_78] : memref<64x64xf32, #tpu.memory_space<vmem>>, vector<64x64xf32>
    %dot_general3A_80 = arith.constant dense<0.000000e+00> : vector<512x64xf32>
    %dot_general3A_81 = tpu.matmul %convert_element_type3A_76, %get3A_79, %dot_general3A_80 {dimension_numbers = #tpu.dot_dimension_numbers<[1], [0], [0], [1], [0, 0, 1, 1], [], []>, transpose_lhs_hint = false} : vector<512x64xbf16>, vector<64x64xf32>, vector<512x64xf32> -> vector<512x64xf32>
    %get3A_82 = arith.constant 0 : index
    %get3A_83 = arith.constant 0 : index
    %get3A_84 = vector.load %arg5[%get3A_82, %get3A_83] : memref<1x64xf32, #tpu.memory_space<vmem>>, vector<1x64xf32>
    %add3A_85 = vector.broadcast %get3A_84 : vector<1x64xf32> to vector<512x64xf32>
    %add3A_86 = arith.addf %dot_general3A_81, %add3A_85 : vector<512x64xf32>
    %ge3A_87 = arith.constant 0.000000e+00 : f32
    %ge3A_88 = vector.broadcast %ge3A_87 : f32 to vector<512x64xf32>
    %ge3A_89 = arith.cmpf oge, %add3A_86, %ge3A_88 : vector<512x64xf32>
    %mul3A_90 = arith.constant 0.00999999977 : f32
    %mul3A_91 = vector.broadcast %mul3A_90 : f32 to vector<512x64xf32>
    %mul3A_92 = arith.mulf %add3A_86, %mul3A_91 : vector<512x64xf32>
    %select_n3A_93 = arith.select %ge3A_89, %add3A_86, %mul3A_92 : vector<512x64xi1>, vector<512x64xf32>
    %convert_element_type3A_94 = arith.truncf %select_n3A_93 : vector<512x64xf32> to vector<512x64xbf16>
    %swap3A_95 = arith.constant 1 : index
    %swap3A_96 = arith.constant 0 : index
    %swap3A_97 = arith.constant 0 : index
    %swap3A_98 = vector.load %arg6[%swap3A_95, %swap3A_96, %swap3A_97] : memref<2x1024x64xbf16, #tpu.memory_space<vmem>>, vector<1x512x64xbf16>
    %swap3A_99 = vector.shape_cast %swap3A_98 : vector<1x512x64xbf16> to vector<512x64xbf16>
    %swap3A_100 = vector.shape_cast %convert_element_type3A_94 : vector<512x64xbf16> to vector<1x512x64xbf16>
    tpu.vector_store %arg6[%swap3A_95, %swap3A_96, %swap3A_97], %swap3A_100 {strides = array<i32>} : memref<2x1024x64xbf16, #tpu.memory_space<vmem>>, vector<1x512x64xbf16>,
    %get3A_101 = arith.constant 1 : index
    %get3A_102 = arith.constant 0 : index
    %get3A_103 = arith.constant 0 : index
    %get3A_104 = arith.constant 0 : index
    %get3A_105 = vector.load %arg2[%get3A_101, %get3A_102, %get3A_103, %get3A_104] : memref<2x1x512x1024xbf16, #tpu.memory_space<vmem>>, vector<1x1x512x1024xbf16>
    %get3A_106 = vector.shape_cast %get3A_105 : vector<1x1x512x1024xbf16> to vector<512x1024xbf16>
    %dot_general3A_107 = arith.constant dense<0.000000e+00> : vector<512x64xf32>
    %dot_general3A_108 = tpu.matmul %get3A_106, %get3A_67, %dot_general3A_107 {dimension_numbers = #tpu.dot_dimension_numbers<[1], [0], [0], [1], [0, 0, 1, 1], [], []>, transpose_lhs_hint = false} : vector<512x1024xbf16>, vector<1024x64xbf16>, vector<512x64xf32> -> vector<512x64xf32>
    %convert_element_type3A_109 = arith.truncf %dot_general3A_108 : vector<512x64xf32> to vector<512x64xbf16>
    %get3A_110 = arith.constant 0 : index
    %get3A_111 = arith.constant 0 : index
    %get3A_112 = vector.load %arg4[%get3A_110, %get3A_111] : memref<64x64xf32, #tpu.memory_space<vmem>>, vector<64x64xf32>
    %dot_general3A_113 = arith.constant dense<0.000000e+00> : vector<512x64xf32>
    %dot_general3A_114 = tpu.matmul %convert_element_type3A_109, %get3A_112, %dot_general3A_113 {dimension_numbers = #tpu.dot_dimension_numbers<[1], [0], [0], [1], [0, 0, 1, 1], [], []>, transpose_lhs_hint = false} : vector<512x64xbf16>, vector<64x64xf32>, vector<512x64xf32> -> vector<512x64xf32>
    %get3A_115 = arith.constant 0 : index
    %get3A_116 = arith.constant 0 : index
    %get3A_117 = vector.load %arg5[%get3A_115, %get3A_116] : memref<1x64xf32, #tpu.memory_space<vmem>>, vector<1x64xf32>
    %add3A_118 = vector.broadcast %get3A_117 : vector<1x64xf32> to vector<512x64xf32>
    %add3A_119 = arith.addf %dot_general3A_114, %add3A_118 : vector<512x64xf32>
    %ge3A_120 = arith.constant 0.000000e+00 : f32
    %ge3A_121 = vector.broadcast %ge3A_120 : f32 to vector<512x64xf32>
    %ge3A_122 = arith.cmpf oge, %add3A_119, %ge3A_121 : vector<512x64xf32>
    %mul3A_123 = arith.constant 0.00999999977 : f32
    %mul3A_124 = vector.broadcast %mul3A_123 : f32 to vector<512x64xf32>
    %mul3A_125 = arith.mulf %add3A_119, %mul3A_124 : vector<512x64xf32>
    %select_n3A_126 = arith.select %ge3A_122, %add3A_119, %mul3A_125 : vector<512x64xi1>, vector<512x64xf32>
    %convert_element_type3A_127 = arith.truncf %select_n3A_126 : vector<512x64xf32> to vector<512x64xbf16>
    %swap3A_128 = arith.constant 1 : index
    %swap3A_129 = arith.constant 512 : index
    %swap3A_130 = arith.constant 0 : index
    %swap3A_131 = vector.load %arg6[%swap3A_128, %swap3A_129, %swap3A_130] : memref<2x1024x64xbf16, #tpu.memory_space<vmem>>, vector<1x512x64xbf16>
    %swap3A_132 = vector.shape_cast %swap3A_131 : vector<1x512x64xbf16> to vector<512x64xbf16>
    %swap3A_133 = vector.shape_cast %convert_element_type3A_127 : vector<512x64xbf16> to vector<1x512x64xbf16>
    tpu.vector_store %arg6[%swap3A_128, %swap3A_129, %swap3A_130], %swap3A_133 {strides = array<i32>} : memref<2x1024x64xbf16, #tpu.memory_space<vmem>>, vector<1x512x64xbf16>,
    return
  }
  func.func @transform_0(%arg0: i32) -> (i32, i32, i32, i32) {
    %c0_i32 = arith.constant 0 : i32
    %c0_i32_0 = arith.constant 0 : i32
    %c0_i32_1 = arith.constant 0 : i32
    %c0_i32_2 = arith.constant 0 : i32
    return %arg0, %c0_i32, %c0_i32_0, %c0_i32_1 : i32, i32, i32, i32
  }
  func.func @transform_1(%arg0: i32) -> (i32, i32, i32, i32) {
    %c1_i32 = arith.constant 1 : i32
    %c0_i32 = arith.constant 0 : i32
    %c0_i32_0 = arith.constant 0 : i32
    %c0_i32_1 = arith.constant 0 : i32
    return %arg0, %c1_i32, %c0_i32, %c0_i32_0 : i32, i32, i32, i32
  }
  func.func @transform_2(%arg0: i32) -> (i32, i32, i32) {
    %c0_i32 = arith.constant 0 : i32
    %c0_i32_0 = arith.constant 0 : i32
    %c0_i32_1 = arith.constant 0 : i32
    return %arg0, %c0_i32, %c0_i32_0 : i32, i32, i32
  }
  func.func @transform_3(%arg0: i32) -> (i32, i32) {
    %c0_i32 = arith.constant 0 : i32
    %c0_i32_0 = arith.constant 0 : i32
    %c0_i32_1 = arith.constant 0 : i32
    return %c0_i32, %c0_i32_0 : i32, i32
  }
  func.func @transform_4(%arg0: i32) -> (i32, i32) {
    %c0_i32 = arith.constant 0 : i32
    %c0_i32_0 = arith.constant 0 : i32
    %c0_i32_1 = arith.constant 0 : i32
    return %c0_i32, %c0_i32_0 : i32, i32
  }
  func.func @transform_5(%arg0: i32) -> (i32, i32, i32) {
    %c0_i32 = arith.constant 0 : i32
    %c0_i32_0 = arith.constant 0 : i32
    %c0_i32_1 = arith.constant 0 : i32
    return %arg0, %c0_i32, %c0_i32_0 : i32, i32, i32
  }
}

module attributes {stable_mosaic.version = 14 : i64} {
  func.func @_pass_mid_body(%arg0: i32, %arg1: memref<2x1x512x1024xbf16, #tpu.memory_space<vmem>>, %arg2: memref<2x1x512x1024xbf16, #tpu.memory_space<vmem>>, %arg3: memref<2x1024x64xbf16, #tpu.memory_space<vmem>>, %arg4: memref<64x128xf32, #tpu.memory_space<vmem>>, %arg5: memref<1x128xf32, #tpu.memory_space<vmem>>, %arg6: memref<2x1024x128xbf16, #tpu.memory_space<vmem>>) attributes {dimension_semantics = [#tpu.dimension_semantics<arbitrary>], iteration_bounds = array<i64: 8>, scalar_prefetch = 0 : i64, scratch_operands = 0 : i64, tpu.core_type = #tpu.core_type<tc>, window_params = [{transform_indices = @transform_0, window_bounds = array<i64: 2, 1, 512, 1024>}, {transform_indices = @transform_1, window_bounds = array<i64: 2, 1, 512, 1024>}, {transform_indices = @transform_2, window_bounds = array<i64: 2, 1024, 64>}, {pipeline_mode = #tpu.pipeline_mode<synchronous>, transform_indices = @transform_3, window_bounds = array<i64: 64, 128>}, {pipeline_mode = #tpu.pipeline_mode<synchronous>, transform_indices = @transform_4, window_bounds = array<i64: 1, 128>}, {transform_indices = @transform_5, window_bounds = array<i64: 2, 1024, 128>}]} {
    %get3A = arith.constant 0 : index
    %get3A_0 = arith.constant 0 : index
    %get3A_1 = arith.constant 0 : index
    %get3A_2 = vector.load %arg3[%get3A, %get3A_0, %get3A_1] : memref<2x1024x64xbf16, #tpu.memory_space<vmem>>, vector<1x1024x64xbf16>
    %get3A_3 = vector.shape_cast %get3A_2 : vector<1x1024x64xbf16> to vector<1024x64xbf16>
    %get3A_4 = arith.constant 0 : index
    %get3A_5 = arith.constant 0 : index
    %get3A_6 = arith.constant 0 : index
    %get3A_7 = arith.constant 0 : index
    %get3A_8 = vector.load %arg1[%get3A_4, %get3A_5, %get3A_6, %get3A_7] : memref<2x1x512x1024xbf16, #tpu.memory_space<vmem>>, vector<1x1x512x1024xbf16>
    %get3A_9 = vector.shape_cast %get3A_8 : vector<1x1x512x1024xbf16> to vector<512x1024xbf16>
    %dot_general3A = arith.constant dense<0.000000e+00> : vector<512x64xf32>
    %dot_general3A_10 = tpu.matmul %get3A_9, %get3A_3, %dot_general3A {dimension_numbers = #tpu.dot_dimension_numbers<[1], [0], [0], [1], [0, 0, 1, 1], [], []>, transpose_lhs_hint = false} : vector<512x1024xbf16>, vector<1024x64xbf16>, vector<512x64xf32> -> vector<512x64xf32>
    %convert_element_type3A = arith.truncf %dot_general3A_10 : vector<512x64xf32> to vector<512x64xbf16>
    %get3A_11 = arith.constant 0 : index
    %get3A_12 = arith.constant 0 : index
    %get3A_13 = vector.load %arg4[%get3A_11, %get3A_12] : memref<64x128xf32, #tpu.memory_space<vmem>>, vector<64x128xf32>
    %dot_general3A_14 = arith.constant dense<0.000000e+00> : vector<512x128xf32>
    %dot_general3A_15 = tpu.matmul %convert_element_type3A, %get3A_13, %dot_general3A_14 {dimension_numbers = #tpu.dot_dimension_numbers<[1], [0], [0], [1], [0, 0, 1, 1], [], []>, transpose_lhs_hint = false} : vector<512x64xbf16>, vector<64x128xf32>, vector<512x128xf32> -> vector<512x128xf32>
    %get3A_16 = arith.constant 0 : index
    %get3A_17 = arith.constant 0 : index
    %get3A_18 = vector.load %arg5[%get3A_16, %get3A_17] : memref<1x128xf32, #tpu.memory_space<vmem>>, vector<1x128xf32>
    %add3A = vector.broadcast %get3A_18 : vector<1x128xf32> to vector<512x128xf32>
    %add3A_19 = arith.addf %dot_general3A_15, %add3A : vector<512x128xf32>
    %ge3A = arith.constant 0.000000e+00 : f32
    %ge3A_20 = vector.broadcast %ge3A : f32 to vector<512x128xf32>
    %ge3A_21 = arith.cmpf oge, %add3A_19, %ge3A_20 : vector<512x128xf32>
    %mul3A = arith.constant 0.00999999977 : f32
    %mul3A_22 = vector.broadcast %mul3A : f32 to vector<512x128xf32>
    %mul3A_23 = arith.mulf %add3A_19, %mul3A_22 : vector<512x128xf32>
    %select_n3A = arith.select %ge3A_21, %add3A_19, %mul3A_23 : vector<512x128xi1>, vector<512x128xf32>
    %convert_element_type3A_24 = arith.truncf %select_n3A : vector<512x128xf32> to vector<512x128xbf16>
    %swap3A = arith.constant 0 : index
    %swap3A_25 = arith.constant 0 : index
    %swap3A_26 = arith.constant 0 : index
    %swap3A_27 = vector.load %arg6[%swap3A, %swap3A_25, %swap3A_26] : memref<2x1024x128xbf16, #tpu.memory_space<vmem>>, vector<1x512x128xbf16>
    %swap3A_28 = vector.shape_cast %swap3A_27 : vector<1x512x128xbf16> to vector<512x128xbf16>
    %swap3A_29 = vector.shape_cast %convert_element_type3A_24 : vector<512x128xbf16> to vector<1x512x128xbf16>
    tpu.vector_store %arg6[%swap3A, %swap3A_25, %swap3A_26], %swap3A_29 {strides = array<i32>} : memref<2x1024x128xbf16, #tpu.memory_space<vmem>>, vector<1x512x128xbf16>,
    %get3A_30 = arith.constant 0 : index
    %get3A_31 = arith.constant 0 : index
    %get3A_32 = arith.constant 0 : index
    %get3A_33 = arith.constant 0 : index
    %get3A_34 = vector.load %arg2[%get3A_30, %get3A_31, %get3A_32, %get3A_33] : memref<2x1x512x1024xbf16, #tpu.memory_space<vmem>>, vector<1x1x512x1024xbf16>
    %get3A_35 = vector.shape_cast %get3A_34 : vector<1x1x512x1024xbf16> to vector<512x1024xbf16>
    %dot_general3A_36 = arith.constant dense<0.000000e+00> : vector<512x64xf32>
    %dot_general3A_37 = tpu.matmul %get3A_35, %get3A_3, %dot_general3A_36 {dimension_numbers = #tpu.dot_dimension_numbers<[1], [0], [0], [1], [0, 0, 1, 1], [], []>, transpose_lhs_hint = false} : vector<512x1024xbf16>, vector<1024x64xbf16>, vector<512x64xf32> -> vector<512x64xf32>
    %convert_element_type3A_38 = arith.truncf %dot_general3A_37 : vector<512x64xf32> to vector<512x64xbf16>
    %get3A_39 = arith.constant 0 : index
    %get3A_40 = arith.constant 0 : index
    %get3A_41 = vector.load %arg4[%get3A_39, %get3A_40] : memref<64x128xf32, #tpu.memory_space<vmem>>, vector<64x128xf32>
    %dot_general3A_42 = arith.constant dense<0.000000e+00> : vector<512x128xf32>
    %dot_general3A_43 = tpu.matmul %convert_element_type3A_38, %get3A_41, %dot_general3A_42 {dimension_numbers = #tpu.dot_dimension_numbers<[1], [0], [0], [1], [0, 0, 1, 1], [], []>, transpose_lhs_hint = false} : vector<512x64xbf16>, vector<64x128xf32>, vector<512x128xf32> -> vector<512x128xf32>
    %get3A_44 = arith.constant 0 : index
    %get3A_45 = arith.constant 0 : index
    %get3A_46 = vector.load %arg5[%get3A_44, %get3A_45] : memref<1x128xf32, #tpu.memory_space<vmem>>, vector<1x128xf32>
    %add3A_47 = vector.broadcast %get3A_46 : vector<1x128xf32> to vector<512x128xf32>
    %add3A_48 = arith.addf %dot_general3A_43, %add3A_47 : vector<512x128xf32>
    %ge3A_49 = arith.constant 0.000000e+00 : f32
    %ge3A_50 = vector.broadcast %ge3A_49 : f32 to vector<512x128xf32>
    %ge3A_51 = arith.cmpf oge, %add3A_48, %ge3A_50 : vector<512x128xf32>
    %mul3A_52 = arith.constant 0.00999999977 : f32
    %mul3A_53 = vector.broadcast %mul3A_52 : f32 to vector<512x128xf32>
    %mul3A_54 = arith.mulf %add3A_48, %mul3A_53 : vector<512x128xf32>
    %select_n3A_55 = arith.select %ge3A_51, %add3A_48, %mul3A_54 : vector<512x128xi1>, vector<512x128xf32>
    %convert_element_type3A_56 = arith.truncf %select_n3A_55 : vector<512x128xf32> to vector<512x128xbf16>
    %swap3A_57 = arith.constant 0 : index
    %swap3A_58 = arith.constant 512 : index
    %swap3A_59 = arith.constant 0 : index
    %swap3A_60 = vector.load %arg6[%swap3A_57, %swap3A_58, %swap3A_59] : memref<2x1024x128xbf16, #tpu.memory_space<vmem>>, vector<1x512x128xbf16>
    %swap3A_61 = vector.shape_cast %swap3A_60 : vector<1x512x128xbf16> to vector<512x128xbf16>
    %swap3A_62 = vector.shape_cast %convert_element_type3A_56 : vector<512x128xbf16> to vector<1x512x128xbf16>
    tpu.vector_store %arg6[%swap3A_57, %swap3A_58, %swap3A_59], %swap3A_62 {strides = array<i32>} : memref<2x1024x128xbf16, #tpu.memory_space<vmem>>, vector<1x512x128xbf16>,
    %get3A_63 = arith.constant 1 : index
    %get3A_64 = arith.constant 0 : index
    %get3A_65 = arith.constant 0 : index
    %get3A_66 = vector.load %arg3[%get3A_63, %get3A_64, %get3A_65] : memref<2x1024x64xbf16, #tpu.memory_space<vmem>>, vector<1x1024x64xbf16>
    %get3A_67 = vector.shape_cast %get3A_66 : vector<1x1024x64xbf16> to vector<1024x64xbf16>
    %get3A_68 = arith.constant 1 : index
    %get3A_69 = arith.constant 0 : index
    %get3A_70 = arith.constant 0 : index
    %get3A_71 = arith.constant 0 : index
    %get3A_72 = vector.load %arg1[%get3A_68, %get3A_69, %get3A_70, %get3A_71] : memref<2x1x512x1024xbf16, #tpu.memory_space<vmem>>, vector<1x1x512x1024xbf16>
    %get3A_73 = vector.shape_cast %get3A_72 : vector<1x1x512x1024xbf16> to vector<512x1024xbf16>
    %dot_general3A_74 = arith.constant dense<0.000000e+00> : vector<512x64xf32>
    %dot_general3A_75 = tpu.matmul %get3A_73, %get3A_67, %dot_general3A_74 {dimension_numbers = #tpu.dot_dimension_numbers<[1], [0], [0], [1], [0, 0, 1, 1], [], []>, transpose_lhs_hint = false} : vector<512x1024xbf16>, vector<1024x64xbf16>, vector<512x64xf32> -> vector<512x64xf32>
    %convert_element_type3A_76 = arith.truncf %dot_general3A_75 : vector<512x64xf32> to vector<512x64xbf16>
    %get3A_77 = arith.constant 0 : index
    %get3A_78 = arith.constant 0 : index
    %get3A_79 = vector.load %arg4[%get3A_77, %get3A_78] : memref<64x128xf32, #tpu.memory_space<vmem>>, vector<64x128xf32>
    %dot_general3A_80 = arith.constant dense<0.000000e+00> : vector<512x128xf32>
    %dot_general3A_81 = tpu.matmul %convert_element_type3A_76, %get3A_79, %dot_general3A_80 {dimension_numbers = #tpu.dot_dimension_numbers<[1], [0], [0], [1], [0, 0, 1, 1], [], []>, transpose_lhs_hint = false} : vector<512x64xbf16>, vector<64x128xf32>, vector<512x128xf32> -> vector<512x128xf32>
    %get3A_82 = arith.constant 0 : index
    %get3A_83 = arith.constant 0 : index
    %get3A_84 = vector.load %arg5[%get3A_82, %get3A_83] : memref<1x128xf32, #tpu.memory_space<vmem>>, vector<1x128xf32>
    %add3A_85 = vector.broadcast %get3A_84 : vector<1x128xf32> to vector<512x128xf32>
    %add3A_86 = arith.addf %dot_general3A_81, %add3A_85 : vector<512x128xf32>
    %ge3A_87 = arith.constant 0.000000e+00 : f32
    %ge3A_88 = vector.broadcast %ge3A_87 : f32 to vector<512x128xf32>
    %ge3A_89 = arith.cmpf oge, %add3A_86, %ge3A_88 : vector<512x128xf32>
    %mul3A_90 = arith.constant 0.00999999977 : f32
    %mul3A_91 = vector.broadcast %mul3A_90 : f32 to vector<512x128xf32>
    %mul3A_92 = arith.mulf %add3A_86, %mul3A_91 : vector<512x128xf32>
    %select_n3A_93 = arith.select %ge3A_89, %add3A_86, %mul3A_92 : vector<512x128xi1>, vector<512x128xf32>
    %convert_element_type3A_94 = arith.truncf %select_n3A_93 : vector<512x128xf32> to vector<512x128xbf16>
    %swap3A_95 = arith.constant 1 : index
    %swap3A_96 = arith.constant 0 : index
    %swap3A_97 = arith.constant 0 : index
    %swap3A_98 = vector.load %arg6[%swap3A_95, %swap3A_96, %swap3A_97] : memref<2x1024x128xbf16, #tpu.memory_space<vmem>>, vector<1x512x128xbf16>
    %swap3A_99 = vector.shape_cast %swap3A_98 : vector<1x512x128xbf16> to vector<512x128xbf16>
    %swap3A_100 = vector.shape_cast %convert_element_type3A_94 : vector<512x128xbf16> to vector<1x512x128xbf16>
    tpu.vector_store %arg6[%swap3A_95, %swap3A_96, %swap3A_97], %swap3A_100 {strides = array<i32>} : memref<2x1024x128xbf16, #tpu.memory_space<vmem>>, vector<1x512x128xbf16>,
    %get3A_101 = arith.constant 1 : index
    %get3A_102 = arith.constant 0 : index
    %get3A_103 = arith.constant 0 : index
    %get3A_104 = arith.constant 0 : index
    %get3A_105 = vector.load %arg2[%get3A_101, %get3A_102, %get3A_103, %get3A_104] : memref<2x1x512x1024xbf16, #tpu.memory_space<vmem>>, vector<1x1x512x1024xbf16>
    %get3A_106 = vector.shape_cast %get3A_105 : vector<1x1x512x1024xbf16> to vector<512x1024xbf16>
    %dot_general3A_107 = arith.constant dense<0.000000e+00> : vector<512x64xf32>
    %dot_general3A_108 = tpu.matmul %get3A_106, %get3A_67, %dot_general3A_107 {dimension_numbers = #tpu.dot_dimension_numbers<[1], [0], [0], [1], [0, 0, 1, 1], [], []>, transpose_lhs_hint = false} : vector<512x1024xbf16>, vector<1024x64xbf16>, vector<512x64xf32> -> vector<512x64xf32>
    %convert_element_type3A_109 = arith.truncf %dot_general3A_108 : vector<512x64xf32> to vector<512x64xbf16>
    %get3A_110 = arith.constant 0 : index
    %get3A_111 = arith.constant 0 : index
    %get3A_112 = vector.load %arg4[%get3A_110, %get3A_111] : memref<64x128xf32, #tpu.memory_space<vmem>>, vector<64x128xf32>
    %dot_general3A_113 = arith.constant dense<0.000000e+00> : vector<512x128xf32>
    %dot_general3A_114 = tpu.matmul %convert_element_type3A_109, %get3A_112, %dot_general3A_113 {dimension_numbers = #tpu.dot_dimension_numbers<[1], [0], [0], [1], [0, 0, 1, 1], [], []>, transpose_lhs_hint = false} : vector<512x64xbf16>, vector<64x128xf32>, vector<512x128xf32> -> vector<512x128xf32>
    %get3A_115 = arith.constant 0 : index
    %get3A_116 = arith.constant 0 : index
    %get3A_117 = vector.load %arg5[%get3A_115, %get3A_116] : memref<1x128xf32, #tpu.memory_space<vmem>>, vector<1x128xf32>
    %add3A_118 = vector.broadcast %get3A_117 : vector<1x128xf32> to vector<512x128xf32>
    %add3A_119 = arith.addf %dot_general3A_114, %add3A_118 : vector<512x128xf32>
    %ge3A_120 = arith.constant 0.000000e+00 : f32
    %ge3A_121 = vector.broadcast %ge3A_120 : f32 to vector<512x128xf32>
    %ge3A_122 = arith.cmpf oge, %add3A_119, %ge3A_121 : vector<512x128xf32>
    %mul3A_123 = arith.constant 0.00999999977 : f32
    %mul3A_124 = vector.broadcast %mul3A_123 : f32 to vector<512x128xf32>
    %mul3A_125 = arith.mulf %add3A_119, %mul3A_124 : vector<512x128xf32>
    %select_n3A_126 = arith.select %ge3A_122, %add3A_119, %mul3A_125 : vector<512x128xi1>, vector<512x128xf32>
    %convert_element_type3A_127 = arith.truncf %select_n3A_126 : vector<512x128xf32> to vector<512x128xbf16>
    %swap3A_128 = arith.constant 1 : index
    %swap3A_129 = arith.constant 512 : index
    %swap3A_130 = arith.constant 0 : index
    %swap3A_131 = vector.load %arg6[%swap3A_128, %swap3A_129, %swap3A_130] : memref<2x1024x128xbf16, #tpu.memory_space<vmem>>, vector<1x512x128xbf16>
    %swap3A_132 = vector.shape_cast %swap3A_131 : vector<1x512x128xbf16> to vector<512x128xbf16>
    %swap3A_133 = vector.shape_cast %convert_element_type3A_127 : vector<512x128xbf16> to vector<1x512x128xbf16>
    tpu.vector_store %arg6[%swap3A_128, %swap3A_129, %swap3A_130], %swap3A_133 {strides = array<i32>} : memref<2x1024x128xbf16, #tpu.memory_space<vmem>>, vector<1x512x128xbf16>,
    return
  }
  func.func @transform_0(%arg0: i32) -> (i32, i32, i32, i32) {
    %c0_i32 = arith.constant 0 : i32
    %c0_i32_0 = arith.constant 0 : i32
    %c0_i32_1 = arith.constant 0 : i32
    %c0_i32_2 = arith.constant 0 : i32
    return %arg0, %c0_i32, %c0_i32_0, %c0_i32_1 : i32, i32, i32, i32
  }
  func.func @transform_1(%arg0: i32) -> (i32, i32, i32, i32) {
    %c1_i32 = arith.constant 1 : i32
    %c0_i32 = arith.constant 0 : i32
    %c0_i32_0 = arith.constant 0 : i32
    %c0_i32_1 = arith.constant 0 : i32
    return %arg0, %c1_i32, %c0_i32, %c0_i32_0 : i32, i32, i32, i32
  }
  func.func @transform_2(%arg0: i32) -> (i32, i32, i32) {
    %c0_i32 = arith.constant 0 : i32
    %c0_i32_0 = arith.constant 0 : i32
    %c0_i32_1 = arith.constant 0 : i32
    return %arg0, %c0_i32, %c0_i32_0 : i32, i32, i32
  }
  func.func @transform_3(%arg0: i32) -> (i32, i32) {
    %c0_i32 = arith.constant 0 : i32
    %c0_i32_0 = arith.constant 0 : i32
    %c0_i32_1 = arith.constant 0 : i32
    return %c0_i32, %c0_i32_0 : i32, i32
  }
  func.func @transform_4(%arg0: i32) -> (i32, i32) {
    %c0_i32 = arith.constant 0 : i32
    %c0_i32_0 = arith.constant 0 : i32
    %c0_i32_1 = arith.constant 0 : i32
    return %c0_i32, %c0_i32_0 : i32, i32
  }
  func.func @transform_5(%arg0: i32) -> (i32, i32, i32) {
    %c0_i32 = arith.constant 0 : i32
    %c0_i32_0 = arith.constant 0 : i32
    %c0_i32_1 = arith.constant 0 : i32
    return %arg0, %c0_i32, %c0_i32_0 : i32, i32, i32
  }
}

module attributes {stable_mosaic.version = 14 : i64} {
  func.func @_pass3_body(%arg0: i32, %arg1: memref<2x1x512x1024xbf16, #tpu.memory_space<vmem>>, %arg2: memref<2x1x512x1024xbf16, #tpu.memory_space<vmem>>, %arg3: memref<2x1024x128xbf16, #tpu.memory_space<vmem>>, %arg4: memref<128x128xf32, #tpu.memory_space<vmem>>, %arg5: memref<1x128xf32, #tpu.memory_space<vmem>>, %arg6: memref<128x72xf32, #tpu.memory_space<vmem>>, %arg7: memref<1x72xf32, #tpu.memory_space<vmem>>, %arg8: memref<2x1x72xf32, #tpu.memory_space<vmem>>) attributes {dimension_semantics = [#tpu.dimension_semantics<arbitrary>], iteration_bounds = array<i64: 8>, scalar_prefetch = 0 : i64, scratch_operands = 0 : i64, tpu.core_type = #tpu.core_type<tc>, window_params = [{transform_indices = @transform_0, window_bounds = array<i64: 2, 1, 512, 1024>}, {transform_indices = @transform_1, window_bounds = array<i64: 2, 1, 512, 1024>}, {transform_indices = @transform_2, window_bounds = array<i64: 2, 1024, 128>}, {pipeline_mode = #tpu.pipeline_mode<synchronous>, transform_indices = @transform_3, window_bounds = array<i64: 128, 128>}, {pipeline_mode = #tpu.pipeline_mode<synchronous>, transform_indices = @transform_4, window_bounds = array<i64: 1, 128>}, {pipeline_mode = #tpu.pipeline_mode<synchronous>, transform_indices = @transform_5, window_bounds = array<i64: 128, 72>}, {pipeline_mode = #tpu.pipeline_mode<synchronous>, transform_indices = @transform_6, window_bounds = array<i64: 1, 72>}, {transform_indices = @transform_7, window_bounds = array<i64: 2, 1, 72>}]} {
    %get3A = arith.constant 0 : index
    %get3A_0 = arith.constant 0 : index
    %get3A_1 = arith.constant 0 : index
    %get3A_2 = vector.load %arg3[%get3A, %get3A_0, %get3A_1] : memref<2x1024x128xbf16, #tpu.memory_space<vmem>>, vector<1x1024x128xbf16>
    %get3A_3 = vector.shape_cast %get3A_2 : vector<1x1024x128xbf16> to vector<1024x128xbf16>
    %get3A_4 = arith.constant 0 : index
    %get3A_5 = arith.constant 0 : index
    %get3A_6 = arith.constant 0 : index
    %get3A_7 = arith.constant 0 : index
    %get3A_8 = vector.load %arg1[%get3A_4, %get3A_5, %get3A_6, %get3A_7] : memref<2x1x512x1024xbf16, #tpu.memory_space<vmem>>, vector<1x1x512x1024xbf16>
    %get3A_9 = vector.shape_cast %get3A_8 : vector<1x1x512x1024xbf16> to vector<512x1024xbf16>
    %dot_general3A = arith.constant dense<0.000000e+00> : vector<512x128xf32>
    %dot_general3A_10 = tpu.matmul %get3A_9, %get3A_3, %dot_general3A {dimension_numbers = #tpu.dot_dimension_numbers<[1], [0], [0], [1], [0, 0, 1, 1], [], []>, transpose_lhs_hint = false} : vector<512x1024xbf16>, vector<1024x128xbf16>, vector<512x128xf32> -> vector<512x128xf32>
    %convert_element_type3A = arith.truncf %dot_general3A_10 : vector<512x128xf32> to vector<512x128xbf16>
    %get3A_11 = arith.constant 0 : index
    %get3A_12 = arith.constant 0 : index
    %get3A_13 = vector.load %arg4[%get3A_11, %get3A_12] : memref<128x128xf32, #tpu.memory_space<vmem>>, vector<128x128xf32>
    %dot_general3A_14 = arith.constant dense<0.000000e+00> : vector<512x128xf32>
    %dot_general3A_15 = tpu.matmul %convert_element_type3A, %get3A_13, %dot_general3A_14 {dimension_numbers = #tpu.dot_dimension_numbers<[1], [0], [0], [1], [0, 0, 1, 1], [], []>, transpose_lhs_hint = false} : vector<512x128xbf16>, vector<128x128xf32>, vector<512x128xf32> -> vector<512x128xf32>
    %get3A_16 = arith.constant 0 : index
    %get3A_17 = arith.constant 0 : index
    %get3A_18 = vector.load %arg5[%get3A_16, %get3A_17] : memref<1x128xf32, #tpu.memory_space<vmem>>, vector<1x128xf32>
    %add3A = vector.broadcast %get3A_18 : vector<1x128xf32> to vector<512x128xf32>
    %add3A_19 = arith.addf %dot_general3A_15, %add3A : vector<512x128xf32>
    %ge3A = arith.constant 0.000000e+00 : f32
    %ge3A_20 = vector.broadcast %ge3A : f32 to vector<512x128xf32>
    %ge3A_21 = arith.cmpf oge, %add3A_19, %ge3A_20 : vector<512x128xf32>
    %mul3A = arith.constant 0.00999999977 : f32
    %mul3A_22 = vector.broadcast %mul3A : f32 to vector<512x128xf32>
    %mul3A_23 = arith.mulf %add3A_19, %mul3A_22 : vector<512x128xf32>
    %select_n3A = arith.select %ge3A_21, %add3A_19, %mul3A_23 : vector<512x128xi1>, vector<512x128xf32>
    %convert_element_type3A_24 = arith.truncf %select_n3A : vector<512x128xf32> to vector<512x128xbf16>
    %get3A_25 = arith.constant 0 : index
    %get3A_26 = arith.constant 0 : index
    %get3A_27 = vector.load %arg6[%get3A_25, %get3A_26] : memref<128x72xf32, #tpu.memory_space<vmem>>, vector<128x72xf32>
    %dot_general3A_28 = arith.constant dense<0.000000e+00> : vector<512x72xf32>
    %dot_general3A_29 = tpu.matmul %convert_element_type3A_24, %get3A_27, %dot_general3A_28 {dimension_numbers = #tpu.dot_dimension_numbers<[1], [0], [0], [1], [0, 0, 1, 1], [], []>, transpose_lhs_hint = false} : vector<512x128xbf16>, vector<128x72xf32>, vector<512x72xf32> -> vector<512x72xf32>
    %get3A_30 = arith.constant 0 : index
    %get3A_31 = arith.constant 0 : index
    %get3A_32 = vector.load %arg7[%get3A_30, %get3A_31] : memref<1x72xf32, #tpu.memory_space<vmem>>, vector<1x72xf32>
    %add3A_33 = vector.broadcast %get3A_32 : vector<1x72xf32> to vector<512x72xf32>
    %add3A_34 = arith.addf %dot_general3A_29, %add3A_33 : vector<512x72xf32>
    %ge3A_35 = arith.constant 0.000000e+00 : f32
    %ge3A_36 = vector.broadcast %ge3A_35 : f32 to vector<512x72xf32>
    %ge3A_37 = arith.cmpf oge, %add3A_34, %ge3A_36 : vector<512x72xf32>
    %mul3A_38 = arith.constant 0.00999999977 : f32
    %mul3A_39 = vector.broadcast %mul3A_38 : f32 to vector<512x72xf32>
    %mul3A_40 = arith.mulf %add3A_34, %mul3A_39 : vector<512x72xf32>
    %select_n3A_41 = arith.select %ge3A_37, %add3A_34, %mul3A_40 : vector<512x72xi1>, vector<512x72xf32>
    %reduce_sum3A = arith.constant dense<0.000000e+00> : vector<72xf32>
    %reduce_sum3A_42 = vector.multi_reduction <add>, %select_n3A_41, %reduce_sum3A [0] : vector<512x72xf32> to vector<72xf32>
    %broadcast_in_dim3A = vector.shape_cast %reduce_sum3A_42 : vector<72xf32> to vector<1x72xf32>
    %get3A_43 = arith.constant 0 : index
    %get3A_44 = arith.constant 0 : index
    %get3A_45 = arith.constant 0 : index
    %get3A_46 = arith.constant 0 : index
    %get3A_47 = vector.load %arg2[%get3A_43, %get3A_44, %get3A_45, %get3A_46] : memref<2x1x512x1024xbf16, #tpu.memory_space<vmem>>, vector<1x1x512x1024xbf16>
    %get3A_48 = vector.shape_cast %get3A_47 : vector<1x1x512x1024xbf16> to vector<512x1024xbf16>
    %dot_general3A_49 = arith.constant dense<0.000000e+00> : vector<512x128xf32>
    %dot_general3A_50 = tpu.matmul %get3A_48, %get3A_3, %dot_general3A_49 {dimension_numbers = #tpu.dot_dimension_numbers<[1], [0], [0], [1], [0, 0, 1, 1], [], []>, transpose_lhs_hint = false} : vector<512x1024xbf16>, vector<1024x128xbf16>, vector<512x128xf32> -> vector<512x128xf32>
    %convert_element_type3A_51 = arith.truncf %dot_general3A_50 : vector<512x128xf32> to vector<512x128xbf16>
    %get3A_52 = arith.constant 0 : index
    %get3A_53 = arith.constant 0 : index
    %get3A_54 = vector.load %arg4[%get3A_52, %get3A_53] : memref<128x128xf32, #tpu.memory_space<vmem>>, vector<128x128xf32>
    %dot_general3A_55 = arith.constant dense<0.000000e+00> : vector<512x128xf32>
    %dot_general3A_56 = tpu.matmul %convert_element_type3A_51, %get3A_54, %dot_general3A_55 {dimension_numbers = #tpu.dot_dimension_numbers<[1], [0], [0], [1], [0, 0, 1, 1], [], []>, transpose_lhs_hint = false} : vector<512x128xbf16>, vector<128x128xf32>, vector<512x128xf32> -> vector<512x128xf32>
    %get3A_57 = arith.constant 0 : index
    %get3A_58 = arith.constant 0 : index
    %get3A_59 = vector.load %arg5[%get3A_57, %get3A_58] : memref<1x128xf32, #tpu.memory_space<vmem>>, vector<1x128xf32>
    %add3A_60 = vector.broadcast %get3A_59 : vector<1x128xf32> to vector<512x128xf32>
    %add3A_61 = arith.addf %dot_general3A_56, %add3A_60 : vector<512x128xf32>
    %ge3A_62 = arith.constant 0.000000e+00 : f32
    %ge3A_63 = vector.broadcast %ge3A_62 : f32 to vector<512x128xf32>
    %ge3A_64 = arith.cmpf oge, %add3A_61, %ge3A_63 : vector<512x128xf32>
    %mul3A_65 = arith.constant 0.00999999977 : f32
    %mul3A_66 = vector.broadcast %mul3A_65 : f32 to vector<512x128xf32>
    %mul3A_67 = arith.mulf %add3A_61, %mul3A_66 : vector<512x128xf32>
    %select_n3A_68 = arith.select %ge3A_64, %add3A_61, %mul3A_67 : vector<512x128xi1>, vector<512x128xf32>
    %convert_element_type3A_69 = arith.truncf %select_n3A_68 : vector<512x128xf32> to vector<512x128xbf16>
    %get3A_70 = arith.constant 0 : index
    %get3A_71 = arith.constant 0 : index
    %get3A_72 = vector.load %arg6[%get3A_70, %get3A_71] : memref<128x72xf32, #tpu.memory_space<vmem>>, vector<128x72xf32>
    %dot_general3A_73 = arith.constant dense<0.000000e+00> : vector<512x72xf32>
    %dot_general3A_74 = tpu.matmul %convert_element_type3A_69, %get3A_72, %dot_general3A_73 {dimension_numbers = #tpu.dot_dimension_numbers<[1], [0], [0], [1], [0, 0, 1, 1], [], []>, transpose_lhs_hint = false} : vector<512x128xbf16>, vector<128x72xf32>, vector<512x72xf32> -> vector<512x72xf32>
    %get3A_75 = arith.constant 0 : index
    %get3A_76 = arith.constant 0 : index
    %get3A_77 = vector.load %arg7[%get3A_75, %get3A_76] : memref<1x72xf32, #tpu.memory_space<vmem>>, vector<1x72xf32>
    %add3A_78 = vector.broadcast %get3A_77 : vector<1x72xf32> to vector<512x72xf32>
    %add3A_79 = arith.addf %dot_general3A_74, %add3A_78 : vector<512x72xf32>
    %ge3A_80 = arith.constant 0.000000e+00 : f32
    %ge3A_81 = vector.broadcast %ge3A_80 : f32 to vector<512x72xf32>
    %ge3A_82 = arith.cmpf oge, %add3A_79, %ge3A_81 : vector<512x72xf32>
    %mul3A_83 = arith.constant 0.00999999977 : f32
    %mul3A_84 = vector.broadcast %mul3A_83 : f32 to vector<512x72xf32>
    %mul3A_85 = arith.mulf %add3A_79, %mul3A_84 : vector<512x72xf32>
    %select_n3A_86 = arith.select %ge3A_82, %add3A_79, %mul3A_85 : vector<512x72xi1>, vector<512x72xf32>
    %reduce_sum3A_87 = arith.constant dense<0.000000e+00> : vector<72xf32>
    %reduce_sum3A_88 = vector.multi_reduction <add>, %select_n3A_86, %reduce_sum3A_87 [0] : vector<512x72xf32> to vector<72xf32>
    %broadcast_in_dim3A_89 = vector.shape_cast %reduce_sum3A_88 : vector<72xf32> to vector<1x72xf32>
    %add3A_90 = arith.addf %broadcast_in_dim3A, %broadcast_in_dim3A_89 : vector<1x72xf32>
    %swap3A = arith.constant 0 : index
    %swap3A_91 = arith.constant 0 : index
    %swap3A_92 = arith.constant 0 : index
    %swap3A_93 = vector.load %arg8[%swap3A, %swap3A_91, %swap3A_92] : memref<2x1x72xf32, #tpu.memory_space<vmem>>, vector<1x1x72xf32>
    %swap3A_94 = vector.shape_cast %swap3A_93 : vector<1x1x72xf32> to vector<1x72xf32>
    %swap3A_95 = vector.shape_cast %add3A_90 : vector<1x72xf32> to vector<1x1x72xf32>
    tpu.vector_store %arg8[%swap3A, %swap3A_91, %swap3A_92], %swap3A_95 {strides = array<i32>} : memref<2x1x72xf32, #tpu.memory_space<vmem>>, vector<1x1x72xf32>,
    %get3A_96 = arith.constant 1 : index
    %get3A_97 = arith.constant 0 : index
    %get3A_98 = arith.constant 0 : index
    %get3A_99 = vector.load %arg3[%get3A_96, %get3A_97, %get3A_98] : memref<2x1024x128xbf16, #tpu.memory_space<vmem>>, vector<1x1024x128xbf16>
    %get3A_100 = vector.shape_cast %get3A_99 : vector<1x1024x128xbf16> to vector<1024x128xbf16>
    %get3A_101 = arith.constant 1 : index
    %get3A_102 = arith.constant 0 : index
    %get3A_103 = arith.constant 0 : index
    %get3A_104 = arith.constant 0 : index
    %get3A_105 = vector.load %arg1[%get3A_101, %get3A_102, %get3A_103, %get3A_104] : memref<2x1x512x1024xbf16, #tpu.memory_space<vmem>>, vector<1x1x512x1024xbf16>
    %get3A_106 = vector.shape_cast %get3A_105 : vector<1x1x512x1024xbf16> to vector<512x1024xbf16>
    %dot_general3A_107 = arith.constant dense<0.000000e+00> : vector<512x128xf32>
    %dot_general3A_108 = tpu.matmul %get3A_106, %get3A_100, %dot_general3A_107 {dimension_numbers = #tpu.dot_dimension_numbers<[1], [0], [0], [1], [0, 0, 1, 1], [], []>, transpose_lhs_hint = false} : vector<512x1024xbf16>, vector<1024x128xbf16>, vector<512x128xf32> -> vector<512x128xf32>
    %convert_element_type3A_109 = arith.truncf %dot_general3A_108 : vector<512x128xf32> to vector<512x128xbf16>
    %get3A_110 = arith.constant 0 : index
    %get3A_111 = arith.constant 0 : index
    %get3A_112 = vector.load %arg4[%get3A_110, %get3A_111] : memref<128x128xf32, #tpu.memory_space<vmem>>, vector<128x128xf32>
    %dot_general3A_113 = arith.constant dense<0.000000e+00> : vector<512x128xf32>
    %dot_general3A_114 = tpu.matmul %convert_element_type3A_109, %get3A_112, %dot_general3A_113 {dimension_numbers = #tpu.dot_dimension_numbers<[1], [0], [0], [1], [0, 0, 1, 1], [], []>, transpose_lhs_hint = false} : vector<512x128xbf16>, vector<128x128xf32>, vector<512x128xf32> -> vector<512x128xf32>
    %get3A_115 = arith.constant 0 : index
    %get3A_116 = arith.constant 0 : index
    %get3A_117 = vector.load %arg5[%get3A_115, %get3A_116] : memref<1x128xf32, #tpu.memory_space<vmem>>, vector<1x128xf32>
    %add3A_118 = vector.broadcast %get3A_117 : vector<1x128xf32> to vector<512x128xf32>
    %add3A_119 = arith.addf %dot_general3A_114, %add3A_118 : vector<512x128xf32>
    %ge3A_120 = arith.constant 0.000000e+00 : f32
    %ge3A_121 = vector.broadcast %ge3A_120 : f32 to vector<512x128xf32>
    %ge3A_122 = arith.cmpf oge, %add3A_119, %ge3A_121 : vector<512x128xf32>
    %mul3A_123 = arith.constant 0.00999999977 : f32
    %mul3A_124 = vector.broadcast %mul3A_123 : f32 to vector<512x128xf32>
    %mul3A_125 = arith.mulf %add3A_119, %mul3A_124 : vector<512x128xf32>
    %select_n3A_126 = arith.select %ge3A_122, %add3A_119, %mul3A_125 : vector<512x128xi1>, vector<512x128xf32>
    %convert_element_type3A_127 = arith.truncf %select_n3A_126 : vector<512x128xf32> to vector<512x128xbf16>
    %get3A_128 = arith.constant 0 : index
    %get3A_129 = arith.constant 0 : index
    %get3A_130 = vector.load %arg6[%get3A_128, %get3A_129] : memref<128x72xf32, #tpu.memory_space<vmem>>, vector<128x72xf32>
    %dot_general3A_131 = arith.constant dense<0.000000e+00> : vector<512x72xf32>
    %dot_general3A_132 = tpu.matmul %convert_element_type3A_127, %get3A_130, %dot_general3A_131 {dimension_numbers = #tpu.dot_dimension_numbers<[1], [0], [0], [1], [0, 0, 1, 1], [], []>, transpose_lhs_hint = false} : vector<512x128xbf16>, vector<128x72xf32>, vector<512x72xf32> -> vector<512x72xf32>
    %get3A_133 = arith.constant 0 : index
    %get3A_134 = arith.constant 0 : index
    %get3A_135 = vector.load %arg7[%get3A_133, %get3A_134] : memref<1x72xf32, #tpu.memory_space<vmem>>, vector<1x72xf32>
    %add3A_136 = vector.broadcast %get3A_135 : vector<1x72xf32> to vector<512x72xf32>
    %add3A_137 = arith.addf %dot_general3A_132, %add3A_136 : vector<512x72xf32>
    %ge3A_138 = arith.constant 0.000000e+00 : f32
    %ge3A_139 = vector.broadcast %ge3A_138 : f32 to vector<512x72xf32>
    %ge3A_140 = arith.cmpf oge, %add3A_137, %ge3A_139 : vector<512x72xf32>
    %mul3A_141 = arith.constant 0.00999999977 : f32
    %mul3A_142 = vector.broadcast %mul3A_141 : f32 to vector<512x72xf32>
    %mul3A_143 = arith.mulf %add3A_137, %mul3A_142 : vector<512x72xf32>
    %select_n3A_144 = arith.select %ge3A_140, %add3A_137, %mul3A_143 : vector<512x72xi1>, vector<512x72xf32>
    %reduce_sum3A_145 = arith.constant dense<0.000000e+00> : vector<72xf32>
    %reduce_sum3A_146 = vector.multi_reduction <add>, %select_n3A_144, %reduce_sum3A_145 [0] : vector<512x72xf32> to vector<72xf32>
    %broadcast_in_dim3A_147 = vector.shape_cast %reduce_sum3A_146 : vector<72xf32> to vector<1x72xf32>
    %get3A_148 = arith.constant 1 : index
    %get3A_149 = arith.constant 0 : index
    %get3A_150 = arith.constant 0 : index
    %get3A_151 = arith.constant 0 : index
    %get3A_152 = vector.load %arg2[%get3A_148, %get3A_149, %get3A_150, %get3A_151] : memref<2x1x512x1024xbf16, #tpu.memory_space<vmem>>, vector<1x1x512x1024xbf16>
    %get3A_153 = vector.shape_cast %get3A_152 : vector<1x1x512x1024xbf16> to vector<512x1024xbf16>
    %dot_general3A_154 = arith.constant dense<0.000000e+00> : vector<512x128xf32>
    %dot_general3A_155 = tpu.matmul %get3A_153, %get3A_100, %dot_general3A_154 {dimension_numbers = #tpu.dot_dimension_numbers<[1], [0], [0], [1], [0, 0, 1, 1], [], []>, transpose_lhs_hint = false} : vector<512x1024xbf16>, vector<1024x128xbf16>, vector<512x128xf32> -> vector<512x128xf32>
    %convert_element_type3A_156 = arith.truncf %dot_general3A_155 : vector<512x128xf32> to vector<512x128xbf16>
    %get3A_157 = arith.constant 0 : index
    %get3A_158 = arith.constant 0 : index
    %get3A_159 = vector.load %arg4[%get3A_157, %get3A_158] : memref<128x128xf32, #tpu.memory_space<vmem>>, vector<128x128xf32>
    %dot_general3A_160 = arith.constant dense<0.000000e+00> : vector<512x128xf32>
    %dot_general3A_161 = tpu.matmul %convert_element_type3A_156, %get3A_159, %dot_general3A_160 {dimension_numbers = #tpu.dot_dimension_numbers<[1], [0], [0], [1], [0, 0, 1, 1], [], []>, transpose_lhs_hint = false} : vector<512x128xbf16>, vector<128x128xf32>, vector<512x128xf32> -> vector<512x128xf32>
    %get3A_162 = arith.constant 0 : index
    %get3A_163 = arith.constant 0 : index
    %get3A_164 = vector.load %arg5[%get3A_162, %get3A_163] : memref<1x128xf32, #tpu.memory_space<vmem>>, vector<1x128xf32>
    %add3A_165 = vector.broadcast %get3A_164 : vector<1x128xf32> to vector<512x128xf32>
    %add3A_166 = arith.addf %dot_general3A_161, %add3A_165 : vector<512x128xf32>
    %ge3A_167 = arith.constant 0.000000e+00 : f32
    %ge3A_168 = vector.broadcast %ge3A_167 : f32 to vector<512x128xf32>
    %ge3A_169 = arith.cmpf oge, %add3A_166, %ge3A_168 : vector<512x128xf32>
    %mul3A_170 = arith.constant 0.00999999977 : f32
    %mul3A_171 = vector.broadcast %mul3A_170 : f32 to vector<512x128xf32>
    %mul3A_172 = arith.mulf %add3A_166, %mul3A_171 : vector<512x128xf32>
    %select_n3A_173 = arith.select %ge3A_169, %add3A_166, %mul3A_172 : vector<512x128xi1>, vector<512x128xf32>
    %convert_element_type3A_174 = arith.truncf %select_n3A_173 : vector<512x128xf32> to vector<512x128xbf16>
    %get3A_175 = arith.constant 0 : index
    %get3A_176 = arith.constant 0 : index
    %get3A_177 = vector.load %arg6[%get3A_175, %get3A_176] : memref<128x72xf32, #tpu.memory_space<vmem>>, vector<128x72xf32>
    %dot_general3A_178 = arith.constant dense<0.000000e+00> : vector<512x72xf32>
    %dot_general3A_179 = tpu.matmul %convert_element_type3A_174, %get3A_177, %dot_general3A_178 {dimension_numbers = #tpu.dot_dimension_numbers<[1], [0], [0], [1], [0, 0, 1, 1], [], []>, transpose_lhs_hint = false} : vector<512x128xbf16>, vector<128x72xf32>, vector<512x72xf32> -> vector<512x72xf32>
    %get3A_180 = arith.constant 0 : index
    %get3A_181 = arith.constant 0 : index
    %get3A_182 = vector.load %arg7[%get3A_180, %get3A_181] : memref<1x72xf32, #tpu.memory_space<vmem>>, vector<1x72xf32>
    %add3A_183 = vector.broadcast %get3A_182 : vector<1x72xf32> to vector<512x72xf32>
    %add3A_184 = arith.addf %dot_general3A_179, %add3A_183 : vector<512x72xf32>
    %ge3A_185 = arith.constant 0.000000e+00 : f32
    %ge3A_186 = vector.broadcast %ge3A_185 : f32 to vector<512x72xf32>
    %ge3A_187 = arith.cmpf oge, %add3A_184, %ge3A_186 : vector<512x72xf32>
    %mul3A_188 = arith.constant 0.00999999977 : f32
    %mul3A_189 = vector.broadcast %mul3A_188 : f32 to vector<512x72xf32>
    %mul3A_190 = arith.mulf %add3A_184, %mul3A_189 : vector<512x72xf32>
    %select_n3A_191 = arith.select %ge3A_187, %add3A_184, %mul3A_190 : vector<512x72xi1>, vector<512x72xf32>
    %reduce_sum3A_192 = arith.constant dense<0.000000e+00> : vector<72xf32>
    %reduce_sum3A_193 = vector.multi_reduction <add>, %select_n3A_191, %reduce_sum3A_192 [0] : vector<512x72xf32> to vector<72xf32>
    %broadcast_in_dim3A_194 = vector.shape_cast %reduce_sum3A_193 : vector<72xf32> to vector<1x72xf32>
    %add3A_195 = arith.addf %broadcast_in_dim3A_147, %broadcast_in_dim3A_194 : vector<1x72xf32>
    %swap3A_196 = arith.constant 1 : index
    %swap3A_197 = arith.constant 0 : index
    %swap3A_198 = arith.constant 0 : index
    %swap3A_199 = vector.load %arg8[%swap3A_196, %swap3A_197, %swap3A_198] : memref<2x1x72xf32, #tpu.memory_space<vmem>>, vector<1x1x72xf32>
    %swap3A_200 = vector.shape_cast %swap3A_199 : vector<1x1x72xf32> to vector<1x72xf32>
    %swap3A_201 = vector.shape_cast %add3A_195 : vector<1x72xf32> to vector<1x1x72xf32>
    tpu.vector_store %arg8[%swap3A_196, %swap3A_197, %swap3A_198], %swap3A_201 {strides = array<i32>} : memref<2x1x72xf32, #tpu.memory_space<vmem>>, vector<1x1x72xf32>,
    return
  }
  func.func @transform_0(%arg0: i32) -> (i32, i32, i32, i32) {
    %c0_i32 = arith.constant 0 : i32
    %c0_i32_0 = arith.constant 0 : i32
    %c0_i32_1 = arith.constant 0 : i32
    %c0_i32_2 = arith.constant 0 : i32
    return %arg0, %c0_i32, %c0_i32_0, %c0_i32_1 : i32, i32, i32, i32
  }
  func.func @transform_1(%arg0: i32) -> (i32, i32, i32, i32) {
    %c1_i32 = arith.constant 1 : i32
    %c0_i32 = arith.constant 0 : i32
    %c0_i32_0 = arith.constant 0 : i32
    %c0_i32_1 = arith.constant 0 : i32
    return %arg0, %c1_i32, %c0_i32, %c0_i32_0 : i32, i32, i32, i32
  }
  func.func @transform_2(%arg0: i32) -> (i32, i32, i32) {
    %c0_i32 = arith.constant 0 : i32
    %c0_i32_0 = arith.constant 0 : i32
    %c0_i32_1 = arith.constant 0 : i32
    return %arg0, %c0_i32, %c0_i32_0 : i32, i32, i32
  }
  func.func @transform_3(%arg0: i32) -> (i32, i32) {
    %c0_i32 = arith.constant 0 : i32
    %c0_i32_0 = arith.constant 0 : i32
    %c0_i32_1 = arith.constant 0 : i32
    return %c0_i32, %c0_i32_0 : i32, i32
  }
  func.func @transform_4(%arg0: i32) -> (i32, i32) {
    %c0_i32 = arith.constant 0 : i32
    %c0_i32_0 = arith.constant 0 : i32
    %c0_i32_1 = arith.constant 0 : i32
    return %c0_i32, %c0_i32_0 : i32, i32
  }
  func.func @transform_5(%arg0: i32) -> (i32, i32) {
    %c0_i32 = arith.constant 0 : i32
    %c0_i32_0 = arith.constant 0 : i32
    %c0_i32_1 = arith.constant 0 : i32
    return %c0_i32, %c0_i32_0 : i32, i32
  }
  func.func @transform_6(%arg0: i32) -> (i32, i32) {
    %c0_i32 = arith.constant 0 : i32
    %c0_i32_0 = arith.constant 0 : i32
    %c0_i32_1 = arith.constant 0 : i32
    return %c0_i32, %c0_i32_0 : i32, i32
  }
  func.func @transform_7(%arg0: i32) -> (i32, i32, i32) {
    %c0_i32 = arith.constant 0 : i32
    %c0_i32_0 = arith.constant 0 : i32
    %c0_i32_1 = arith.constant 0 : i32
    return %arg0, %c0_i32, %c0_i32_0 : i32, i32, i32
  }
}

module attributes {stable_mosaic.version = 14 : i64} {
  func.func @_head_body(%arg0: i32, %arg1: memref<16x72xf32, #tpu.memory_space<vmem>>, %arg2: memref<72x32xf32, #tpu.memory_space<vmem>>, %arg3: memref<1x32xf32, #tpu.memory_space<vmem>>, %arg4: memref<32x64xf32, #tpu.memory_space<vmem>>, %arg5: memref<1x64xf32, #tpu.memory_space<vmem>>, %arg6: memref<16x64xf32, #tpu.memory_space<vmem>>) attributes {dimension_semantics = [#tpu.dimension_semantics<arbitrary>], iteration_bounds = array<i64: 1>, scalar_prefetch = 0 : i64, scratch_operands = 0 : i64, tpu.core_type = #tpu.core_type<tc>, window_params = [{pipeline_mode = #tpu.pipeline_mode<synchronous>, transform_indices = @transform_0, window_bounds = array<i64: 16, 72>}, {pipeline_mode = #tpu.pipeline_mode<synchronous>, transform_indices = @transform_1, window_bounds = array<i64: 72, 32>}, {pipeline_mode = #tpu.pipeline_mode<synchronous>, transform_indices = @transform_2, window_bounds = array<i64: 1, 32>}, {pipeline_mode = #tpu.pipeline_mode<synchronous>, transform_indices = @transform_3, window_bounds = array<i64: 32, 64>}, {pipeline_mode = #tpu.pipeline_mode<synchronous>, transform_indices = @transform_4, window_bounds = array<i64: 1, 64>}, {pipeline_mode = #tpu.pipeline_mode<synchronous>, transform_indices = @transform_5, window_bounds = array<i64: 16, 64>}]} {
    %get3A = arith.constant 0 : index
    %get3A_0 = arith.constant 0 : index
    %get3A_1 = vector.load %arg1[%get3A, %get3A_0] : memref<16x72xf32, #tpu.memory_space<vmem>>, vector<16x72xf32>
    %get3A_2 = arith.constant 0 : index
    %get3A_3 = arith.constant 0 : index
    %get3A_4 = vector.load %arg2[%get3A_2, %get3A_3] : memref<72x32xf32, #tpu.memory_space<vmem>>, vector<72x32xf32>
    %dot_general3A = arith.constant dense<0.000000e+00> : vector<16x32xf32>
    %dot_general3A_5 = tpu.matmul %get3A_1, %get3A_4, %dot_general3A {dimension_numbers = #tpu.dot_dimension_numbers<[1], [0], [0], [1], [0, 0, 1, 1], [], []>, transpose_lhs_hint = false} : vector<16x72xf32>, vector<72x32xf32>, vector<16x32xf32> -> vector<16x32xf32>
    %get3A_6 = arith.constant 0 : index
    %get3A_7 = arith.constant 0 : index
    %get3A_8 = vector.load %arg3[%get3A_6, %get3A_7] : memref<1x32xf32, #tpu.memory_space<vmem>>, vector<1x32xf32>
    %add3A = vector.broadcast %get3A_8 : vector<1x32xf32> to vector<16x32xf32>
    %add3A_9 = arith.addf %dot_general3A_5, %add3A : vector<16x32xf32>
    %ge3A = arith.constant 0.000000e+00 : f32
    %ge3A_10 = vector.broadcast %ge3A : f32 to vector<16x32xf32>
    %ge3A_11 = arith.cmpf oge, %add3A_9, %ge3A_10 : vector<16x32xf32>
    %mul3A = arith.constant 0.00999999977 : f32
    %mul3A_12 = vector.broadcast %mul3A : f32 to vector<16x32xf32>
    %mul3A_13 = arith.mulf %add3A_9, %mul3A_12 : vector<16x32xf32>
    %select_n3A = arith.select %ge3A_11, %add3A_9, %mul3A_13 : vector<16x32xi1>, vector<16x32xf32>
    %get3A_14 = arith.constant 0 : index
    %get3A_15 = arith.constant 0 : index
    %get3A_16 = vector.load %arg4[%get3A_14, %get3A_15] : memref<32x64xf32, #tpu.memory_space<vmem>>, vector<32x64xf32>
    %dot_general3A_17 = arith.constant dense<0.000000e+00> : vector<16x64xf32>
    %dot_general3A_18 = tpu.matmul %select_n3A, %get3A_16, %dot_general3A_17 {dimension_numbers = #tpu.dot_dimension_numbers<[1], [0], [0], [1], [0, 0, 1, 1], [], []>, transpose_lhs_hint = false} : vector<16x32xf32>, vector<32x64xf32>, vector<16x64xf32> -> vector<16x64xf32>
    %get3A_19 = arith.constant 0 : index
    %get3A_20 = arith.constant 0 : index
    %get3A_21 = vector.load %arg5[%get3A_19, %get3A_20] : memref<1x64xf32, #tpu.memory_space<vmem>>, vector<1x64xf32>
    %add3A_22 = vector.broadcast %get3A_21 : vector<1x64xf32> to vector<16x64xf32>
    %add3A_23 = arith.addf %dot_general3A_18, %add3A_22 : vector<16x64xf32>
    %swap3A = arith.constant 0 : index
    %swap3A_24 = arith.constant 0 : index
    %swap3A_25 = vector.load %arg6[%swap3A, %swap3A_24] : memref<16x64xf32, #tpu.memory_space<vmem>>, vector<16x64xf32>
    tpu.vector_store %arg6[%swap3A, %swap3A_24], %add3A_23 {strides = array<i32>} : memref<16x64xf32, #tpu.memory_space<vmem>>, vector<16x64xf32>,
    return
  }
  func.func @transform_0(%arg0: i32) -> (i32, i32) {
    %c0_i32 = arith.constant 0 : i32
    %c0_i32_0 = arith.constant 0 : i32
    %c0_i32_1 = arith.constant 0 : i32
    return %c0_i32, %c0_i32_0 : i32, i32
  }
  func.func @transform_1(%arg0: i32) -> (i32, i32) {
    %c0_i32 = arith.constant 0 : i32
    %c0_i32_0 = arith.constant 0 : i32
    %c0_i32_1 = arith.constant 0 : i32
    return %c0_i32, %c0_i32_0 : i32, i32
  }
  func.func @transform_2(%arg0: i32) -> (i32, i32) {
    %c0_i32 = arith.constant 0 : i32
    %c0_i32_0 = arith.constant 0 : i32
    %c0_i32_1 = arith.constant 0 : i32
    return %c0_i32, %c0_i32_0 : i32, i32
  }
  func.func @transform_3(%arg0: i32) -> (i32, i32) {
    %c0_i32 = arith.constant 0 : i32
    %c0_i32_0 = arith.constant 0 : i32
    %c0_i32_1 = arith.constant 0 : i32
    return %c0_i32, %c0_i32_0 : i32, i32
  }
  func.func @transform_4(%arg0: i32) -> (i32, i32) {
    %c0_i32 = arith.constant 0 : i32
    %c0_i32_0 = arith.constant 0 : i32
    %c0_i32_1 = arith.constant 0 : i32
    return %c0_i32, %c0_i32_0 : i32, i32
  }
  func.func @transform_5(%arg0: i32) -> (i32, i32) {
    %c0_i32 = arith.constant 0 : i32
    %c0_i32_0 = arith.constant 0 : i32
    %c0_i32_1 = arith.constant 0 : i32
    return %c0_i32, %c0_i32_0 : i32, i32
  }
}

</mosaic_0001>

<sc_bundles>
// kernel: sparse-core-data-format-call.cloned.1.call-start
scs
called_computation_lowered:
.L_overlay_start_0:
0x0: {  	s1 =	sld [smem:$0x3FD9]  }
0x1: {  	s2 =	sld [smem:$0x3FFE];
	_ =	sdelay $0x1  }
0x2: {  	s3 =	srdreg.scid  }
0x3: {  	s0 =	sand.u32 $0x1, s3  }
0x4: {  	s17 =	sshll.u32 s0, $0xA;
	s1 =	sadd.s32 s2, s1  }
0x5: {  	s1 =	sadd.s32 s1, s17  }
0x6: {  	[smem:$0x3FB8] =	sst s1  }
0x7: {  	_ = 	snop  }
0x8: {  	(tm) =	ssettm $0x1  }
0x9: {  	s18 =	sld [smem:$0x3FFB];
	_ =	sdelay $0x3  }
0xa: {  	_ =	strace s18  }
0xb: {  	s1 =	sld [smem:$0x3FFC];
	_ =	sdelay $0x3  }
0xc: {  	_ =	strace s1  }
0xd: {  	s1 =	sld [smem:$0x3FFD];
	_ =	sdelay $0x3  }
0xe: {  	_ =	strace s1  }
0xf: {  	_ =	strace $0x8FFFFFFF  }
0x10: {  	s19 =	sld [smem:$0x3FDB];
	_ =	sdelay $0x1  }
0x11: {  	s20 =	simm.s32 $_scs_section_size  }
0x12: {  	s4 =	simm.s32 $_size__tile_overlayer_lowered;
	s5 =	simm.s32 $_tile_overlayer_lowered  }
0x13: {  	s23 =	simm.s32 $0x1BFF;
	s22 =	sshll.u32 s5, $0x1;
	s1 =	sadd.s32 s20, s19  }
0x14: {  	s6 =	simm.s32 $0x0;
	s21 =	sshll.u32 s4, $0x1;
	s4 =	sadd.s32 s22, s1  }
0x15: {  	[timem:s6], [sflag:s23] =	dma.local [hbm:s4], s21  }
0x16: {  	_ =	swait.ge [sflag:s23], s21  }
0x17: {  	s2 =	ssub.s32 $0x0, s21;
	[sflag:s23] =	ssyncset.done $0x0  }
0x18: {  	[sflag:s23] =	ssyncadd.s32 s2;
	_ =	sdelay $0x1  }
0x19: {  	s24 =	simm.s32 $0x1B8B  }
0x1a: {  	_ =	swait.ge [sflag:s24], $0x1  }
0x1b: {  	[sflag:s24] =	ssyncset.done $0x0  }
0x1c: {  	s26 =	simm.s32 $0x1B8E;
	s25 =	sld [smem:$0x3FFE];
	[sflag:s24] =	ssyncadd.s32 $0xFFFFFFFF  }
0x1d: {  	s27 =	simm.s32 $execute0_lowered;
	[smem:$0x3FD2] =	sst s26  }
0x1e: {  	s4 =	sshll.u32 s27, $0x1;
	_ =	strace $0x80000046;
	[dreg:$0x1] =	wrdreg $0xFFFFFFFF  }
0x1f: {  	s28 =	simm.s32 $_size_execute0_lowered;
	s1 =	sadd.s32 s1, s4;
	[dreg:$0x0] =	wrdreg $0x0  }
0x20: {  	s4 =	sshll.u32 s28, $0x1;
	[dreg:$0x2] =	wrdreg s1  }
0x21: {  	[dreg:$0x3] =	wrdreg s4  }
0x22: {  	[dreg:$0x4] =	wrdreg $0xC0  }
0x23: {  	_ =	task [dreg:s6], $0x5FFFF  }
0x24: {  	[dreg:$0x1] =	wrdreg $0xFFFFFFFF  }
0x25: {  	[dreg:$0x0] =	wrdreg $0x60  }
0x26: {  	[dreg:$0x2] =	wrdreg s25  }
0x27: {  	[dreg:$0x3] =	wrdreg $0x9  }
0x28: {  	_ =	task.clear_ibuf [dreg:s6], $0x4FFFF;
	_ =	strace $0x90000046  }
0x29: {  	s29 =	simm.s32 $0x9;
	_ =	strace $0x80000048  }
0x2a: {  	_ =	swait.ge [sflag:s29], $0x1  }
0x2b: {  	[sflag:s29] =	ssyncadd.s32 $0xFFFFFFFF  }
0x2c: {  	_ =	strace $0x90000048  }
0x2d: {  	_ =	sfence  }
0x2e: {  	s30 =	sld [smem:$0x0];
	_ =	sdelay $0x2  }
0x2f: {  	s31 =	sshll.u32 s3, $0xD;
	s3 =	sshrl.u32 s3, $0x2  }
0x30: {  	s2 =	sand.u32 $0x4000, s31;
	s1 =	sadd.s32 s3, s30  }
0x31: {  	s0 =	sor.u32 s2, s0;
	s1 =	sshll.u32 s1, $0x11  }
0x32: {  	s0 =	sor.u32 s1, s0  }
0x33: {  	s0 =	sadd.s32 $0x8F2B, s0  }
0x34: {  	[sflag:s0] =	ssyncadd.remote.s32 $0x1  }
0x35: {  	_ =	sfence.sel $0xFFFF  }
0x36: {  	[dreg:$0x0] =	wrdreg $0xFFFFFFFF;
	(pc) =	sbr.abs _section_cstart, $3  }
0x37: {  	[dreg:$0x1] =	wrdreg $0xFFFFFFFF  }
0x38: {  	_ =	task.clear_ibuf [dreg:s6], $0x2FFFF;
	_ =	strace $0x9FFFFFFF  }
0x39: {  	(tm) =	ssettm $0x7FFFFFFF  }
tec
execute0_lowered:
.L_overlay_start_1:
0x0: {  	(tag) =	ssettag $0x1  }
0x1: {  	s0 =	srdreg.scid;
	s3 =	rddreg [dreg:$0x0]  }
0x2: {  	_ =	strace $0x80000047;
	s31 =	simm.s32 $0x1;
	s7 =	simm.s32 $0x2  }
0x3: {  	s8 =	stileid.u32;
	s16 =	simm.s32 $0x0;
	s10 =	simm.s32 $0x0  }
0x4: {  	s17 =	simm.s32 $0x0;
	s11 =	simm.s32 $0x0;
	s0 =	sshll.u32 s0, $0x4  }
0x5: {  	s12 =	simm.s32 $0x0;
	s14 =	stileid.u32;
	s5 =	sand.u32 $0x10, s0  }
0x6: {  	s6 =	sadd.s32 $0x2800, s3;
	s1 =	sadd.s32 $0x202800, s3;
	s0 =	ssub.s32 $0x400, s5  }
.Ltmp0:
0x7: {  	[dreg:$0x4] =	wrdreg s1;
	s30 =	sshrl.u32 s0, $0x4;
	(pc) =	sbr.rel .LBB1_1-.Ltmp0, $4  }
0x8: {  	[dreg:$0x3] =	wrdreg s6;
	s0 =	sshrl.u32 s0, $0x5;
	s3 =	sand.u32 $0x1, s30  }
0x9: {  	[sflag:s31] =	ssyncpa.u1 $0x0;
	[dreg:$0x2] =	wrdreg s5;
	s9 =	sadd.s32 s0, s3  }
0xa: {  	[sflag:s7] =	ssyncpa.u1 $0x0;
	s7 =	sadd.s32 $0x1, s9;
	[dreg:$0x5] =	wrdreg s9  }
0xb: {  	s15 =	simm.s32 $0x0;
	s13 =	smov.u32 s5;
	[dreg:$0x6] =	wrdreg s7  }
.LBB1_7:
0xc: {  	p0 =	slt.u32 s15, $0x2  }
0xd: {  	p1 =	sgt.s32 @!p0 s17, $0xF  }
0xe: {  	s0 =	smov.u32 s17;
	s2 =	smov.u32 s16;
	p1 =	por !p1, p0  }
0xf: {  	s1 =	sshra.s32 @!p0 s17, $0x1F;
	s0 =	simm.s32 @p1 $0xF;
	p1 =	sgt.s32 @!p0 s16, $0x3F0  }
0x10: {  	s3 =	sshra.s32 @!p0 s16, $0x1F;
	s1 =	sand.u32 @!p0 s1, s17;
	p1 =	por !p1, p0  }
0x11: {  	s0 =	ssub.s32 @!p0 s0, s1;
	s1 =	sand.u32 @!p0 s3, s16;
	s2 =	simm.s32 @p1 $0x3F0  }
0x12: {  	s0 =	sadd.s32 @!p0 $0xFFFFFFF1, s0;
	s1 =	ssub.s32 @!p0 s2, s1  }
0x13: {  	p1 =	sgt.s32 @!p0 s0, $0x0;
	s2 =	sadd.s32 @!p0 $0xFFFFFC10, s1  }
0x14: {  	s0 =	sshll.u32 @!p0 s0, $0x9;
	s1 =	ssub.s32 @!p0 $0x400, s1;
	p2 =	sgt.s32 @!p0 s2, $0xF  }
0x15: {  	s0 =	ssub.s32 @!p0 $0x200, s0;
	p1 =	por !p1, p0;
	p2 =	por !p2, p0  }
0x16: {  	s0 =	simm.s32 @!p1 $0x0;
	s1 =	simm.s32 @!p2 $0x0  }
0x17: {  	s0 =	smul.u32 @!p0 s1, s0;
	s1 =	sadd.s32 $0x20, s13  }
0x18: {  	s4 =	smov.u32 s14;
	s3 =	sadd.s32 $0x10, s14;
	p1 =	sgt.s32 s1, $0x3FF  }
0x19: {  	s4 =	smov.u32 @p1 s3  }
0x1a: {  	s1 =	smov.u32 @p1 s5;
	p1 =	sgt.s32 s4, $0xF  }
0x1b: {  	s4 =	smov.u32 @p1 s8;
	p1 =	sne.s32 s15, s7  }
.Ltmp1:
0x1c: {  	s10 =	sadd.s32 $0x8000, s10;
	s17 =	smov.u32 s12;
	(pc) =	sbr.rel @!p1 .LBB1_8-.Ltmp1, $4  }
0x1d: {  	s12 =	smov.u32 s14;
	s2 =	simm.s32 @!p0 $0x2;
	s0 =	sand.u32 @!p0 $0x3FFFFE00, s0  }
0x1e: {  	s16 =	smov.u32 s11;
	s11 =	smov.u32 s13;
	_ =	swait.ge @!p0 [sflag:s2], s0  }
0x1f: {  	s0 =	ssub.s32 @!p0 $0x0, s0;
	s13 =	smov.u32 s1;
	[sflag:s2] =	ssyncset.done @!p0 $0x0  }
0x20: {  	s15 =	sadd.s32 $0x1, s15;
	[sflag:s2] =	ssyncadd.s32 @!p0 s0;
	s14 =	smov.u32 s4  }
.LBB1_1:
0x21: {  	p0 =	sge.u32 s15, s9  }
0x22: {  	s31 =	sadd.s32 $0xFFFFFFFF, s15;
	s0 =	sxor.u32 @!p0 $0xFFFFFFFF, s15;
	s18 =	sshll.u32 @!p0 s14, $0x11  }
0x23: {  	s19 =	sshll.u32 @!p0 s13, $0x7;
	s18 =	sadd.s32 @!p0 s6, s18;
	s0 =	sshll.u32 @!p0 s0, $0xE  }
0x24: {  	s18 =	sadd.s32 @!p0 s19, s18;
	s0 =	sand.u32 @!p0 $0x4000, s0;
	s19 =	simm.s32 @!p0 $0x0  }
0x25: {  	[tilespmem:s0], [sflag:$0x1] =	stream.linear.gather @!p0 [hbm4b:s18+s19], $0x4000, $0x38;
	[tilespmem:$0x10000] =	vst v63  }
0x26: {  	p0 =	sge.u32 s31, s9  }
.Ltmp2:
0x27: {  	_ = 	snop;
	(pc) =	sbr.rel @p0 .LBB1_7-.Ltmp2, $1  }
0x28: {  	_ =	sdelay $0x3  }
0x29: {  	s0 =	sshll.u32 s10, $0x1;
	s1 =	simm.s32 $0x1;
	s18 =	sshll.u32 s15, $0xE  }
0x2a: {  	s23 =	simm.s32 $0x0;
	s21 =	simm.s32 $0x0;
	s22 =	simm.s32 $0x0  }
0x2b: {  	s0 =	sand.u32 $0x10000, s0;
	_ =	swait.ge [sflag:s1], $0x4000;
	s19 =	sand.u32 $0x4000, s18  }
0x2c: {  	[sflag:s1] =	ssyncset.done $0x0;
	s0 =	sshrl.u32 s0, $0x2;
	s31 =	sor.u32 $0x8000, s19  }
0x2d: {  	[sflag:s1] =	ssyncadd.s32 $0xFFFFC000;
	[dreg:$0x7] =	wrdreg s31;
	s20 =	sadd.s32 $0xA000, s0  }
.LBB1_3:
0x2e: {  	s0 =	sshll.u32 s23, $0xA;
	s25 =	simm.s32 $0x0  }
0x2f: {  	s26 =	sadd.s32 s0, s19;
	s3 =	sand.u32 $0x200, s25;
	s28 =	sand.u32 $0x180, s25  }
0x30: {  	s27 =	sadd.s32 $0x400, s26;
	s29 =	sadd.s32 s3, s26;
	s24 =	sor.u32 $0x70, s28  }
0x31: {  	s0 =	sadd.s32 s3, s27;
	s30 =	sadd.s32 s24, s29  }
0x32: {  	v0 =	vld [tilespmem:s30+$0x0];
	s24 =	sadd.s32 s24, s0  }
0x33: {  	s30 =	sadd.s32 s28, s29;
	v1 =	vld [tilespmem:s24+$0x0]  }
0x34: {  	s8 =	sand.u32 $0x3, s21;
	s31 =	sor.u32 $0x10, s28;
	v2 =	vld [tilespmem:s30+$0x0];
	s30 =	sadd.s32 s28, s0  }
0x35: {  	s4 =	sshll.u32 s22, $0x1;
	s8 =	sshll.u32 s8, $0x9;
	s9 =	sadd.s32 s31, s29;
	v3 =	vld [tilespmem:s30+$0x0]  }
0x36: {  	s31 =	sadd.s32 s31, s0;
	v4 =	vld [tilespmem:s9+$0x0];
	s24 =	sand.u32 $0xFFFFC000, s4;
	s30 =	sor.u32 $0x20, s28  }
0x37: {  	v6 =	vld [tilespmem:s31+$0x0];
	s8 =	sor.u32 s8, s24;
	s5 =	sadd.s32 s30, s29;
	v5 =	vunpack.i.l.s16.s32 v0  }
0x38: {  	s31 =	sor.u32 $0x30, s28;
	s8 =	sshrl.u32 s8, $0x2;
	s30 =	sadd.s32 s30, s0;
	v8 =	vld [tilespmem:s5+$0x0];
	v0 =	vunpack.i.u.s16.s32 v0;
	v7 =	vunpack.i.u.s16.s32 v1;
	v1 =	vunpack.i.l.s16.s32 v1  }
0x39: {  	s6 =	sadd.s32 s31, s29;
	s24 =	sadd.s32 s8, s20;
	v9 =	vunpack.i.u.s16.s32 v2;
	v10 =	vunpack.i.l.s16.s32 v2;
	v2 =	vld [tilespmem:s30+$0x0];
	v7 =	vpack.i.b32.b16 v7, v0  }
0x3a: {  	s7 =	sor.u32 $0x40, s28;
	s30 =	sadd.s32 s31, s0;
	v11 =	vunpack.i.u.s16.s32 v3;
	v3 =	vunpack.i.l.s16.s32 v3;
	v0 =	vld [tilespmem:s6+$0x0];
	v1 =	vpack.i.b32.b16 v1, v5;
	[tilespmem:s24+$0x70] =	vst v7  }
0x3b: {  	s18 =	sor.u32 $0x50, s28;
	s3 =	sadd.s32 s7, s29;
	v5 =	vunpack.i.u.s16.s32 v4;
	v4 =	vunpack.i.l.s16.s32 v4;
	v7 =	vpack.i.b32.b16 v3, v10;
	v3 =	vld [tilespmem:s30+$0x0];
	[tilespmem:s24+$0xFFFFE070] =	vst v1  }
0x3c: {  	s9 =	sadd.s32 s7, s0;
	s28 =	sor.u32 $0x60, s28;
	s31 =	sadd.s32 s18, s29;
	v9 =	vpack.i.b32.b16 v11, v9;
	v1 =	vld [tilespmem:s3+$0x0];
	[tilespmem:s24+$0xFFFFE000] =	vst v7;
	v7 =	vunpack.i.u.s16.s32 v6;
	v6 =	vunpack.i.l.s16.s32 v6  }
0x3d: {  	s29 =	sadd.s32 s28, s29;
	s28 =	sadd.s32 s28, s0;
	s30 =	sadd.s32 s18, s0;
	[tilespmem:s24+$0x0] =	vst v9;
	v9 =	vpack.i.b32.b16 v6, v4;
	v6 =	vunpack.i.u.s16.s32 v8;
	v8 =	vunpack.i.l.s16.s32 v8;
	v4 =	vld [tilespmem:s9+$0x0]  }
.LBB1_4:
0x3e: {  	s25 =	sadd.s32 $0x80, s25;
	[tilespmem:s24+$0xFFFFE010] =	vst v9;
	v5 =	vpack.i.b32.b16 v7, v5;
	v7 =	vunpack.i.u.s16.s32 v2;
	v2 =	vunpack.i.l.s16.s32 v2;
	v9 =	vld [tilespmem:s31+$0x0]  }
0x3f: {  	s3 =	sand.u32 $0x200, s25;
	s8 =	sand.u32 $0x180, s25;
	p0 =	slt.u32 s25, $0x380;
	[tilespmem:s24+$0x10] =	vst v5;
	v2 =	vpack.i.b32.b16 v2, v8;
	v5 =	vunpack.i.u.s16.s32 v0;
	v0 =	vunpack.i.l.s16.s32 v0;
	v8 =	vld [tilespmem:s30+$0x0]  }
0x40: {  	s0 =	sadd.s32 s3, s26;
	s9 =	sor.u32 $0x10, s8;
	s30 =	sor.u32 $0x70, s8;
	[tilespmem:s24+$0xFFFFE020] =	vst v2;
	v2 =	vpack.i.b32.b16 v7, v6;
	v6 =	vunpack.i.u.s16.s32 v3;
	v3 =	vunpack.i.l.s16.s32 v3;
	v7 =	vld [tilespmem:s29+$0x0]  }
0x41: {  	s3 =	sadd.s32 s3, s27;
	s29 =	sor.u32 $0x20, s8;
	s31 =	sadd.s32 s30, s0;
	[tilespmem:s24+$0x20] =	vst v2;
	v0 =	vpack.i.b32.b16 v3, v0;
	v2 =	vunpack.i.u.s16.s32 v1;
	v1 =	vunpack.i.l.s16.s32 v1;
	v3 =	vld [tilespmem:s28+$0x0]  }
0x42: {  	s4 =	sor.u32 $0x40, s8;
	s28 =	sor.u32 $0x30, s8;
	s30 =	sadd.s32 s30, s3;
	v10 =	vld [tilespmem:s31+$0x0];
	[tilespmem:s24+$0xFFFFE030] =	vst v0;
	v0 =	vpack.i.b32.b16 v6, v5;
	v5 =	vunpack.i.u.s16.s32 v4;
	v4 =	vunpack.i.l.s16.s32 v4  }
0x43: {  	s5 =	sor.u32 $0x50, s8;
	s2 =	sor.u32 $0x60, s8;
	s31 =	sadd.s32 s8, s0;
	v6 =	vld [tilespmem:s30+$0x0];
	[tilespmem:s24+$0x30] =	vst v0;
	v0 =	vpack.i.b32.b16 v4, v1;
	v1 =	vunpack.i.u.s16.s32 v9;
	v4 =	vunpack.i.l.s16.s32 v9  }
0x44: {  	s8 =	sadd.s32 s8, s3;
	s30 =	sadd.s32 s9, s0;
	s9 =	sadd.s32 s9, s3;
	v9 =	vld [tilespmem:s31+$0x0];
	[tilespmem:s24+$0xFFFFE040] =	vst v0;
	v0 =	vpack.i.b32.b16 v5, v2;
	v2 =	vunpack.i.u.s16.s32 v8;
	v5 =	vunpack.i.l.s16.s32 v8  }
0x45: {  	s7 =	sadd.s32 s29, s3;
	s1 =	sadd.s32 s28, s0;
	v8 =	vld [tilespmem:s8+$0x0];
	s8 =	sadd.s32 s29, s0;
	[tilespmem:s24+$0x40] =	vst v0;
	v0 =	vpack.i.b32.b16 v5, v4;
	v4 =	vunpack.i.u.s16.s32 v7;
	v5 =	vunpack.i.l.s16.s32 v7  }
0x46: {  	s6 =	sadd.s32 s4, s0;
	s4 =	sadd.s32 s4, s3;
	s18 =	sadd.s32 s28, s3;
	v7 =	vld [tilespmem:s30+$0x0];
	[tilespmem:s24+$0xFFFFE050] =	vst v0;
	v0 =	vpack.i.b32.b16 v2, v1;
	v1 =	vunpack.i.u.s16.s32 v3;
	v2 =	vunpack.i.l.s16.s32 v3  }
0x47: {  	s31 =	sadd.s32 s5, s0;
	s29 =	sadd.s32 s2, s0;
	s30 =	sadd.s32 s5, s3;
	v11 =	vld [tilespmem:s9+$0x0];
	v3 =	vunpack.i.l.s16.s32 v10;
	[tilespmem:s24+$0x50] =	vst v0;
	v0 =	vpack.i.b32.b16 v2, v5;
	v1 =	vpack.i.b32.b16 v1, v4  }
0x48: {  	s28 =	sadd.s32 s2, s3;
	v5 =	vunpack.i.u.s16.s32 v10;
	v4 =	vld [tilespmem:s8+$0x0];
	v10 =	vunpack.i.u.s16.s32 v6;
	v6 =	vunpack.i.l.s16.s32 v6;
	[tilespmem:s24+$0xFFFFE060] =	vst v0  }
.Ltmp3:
0x49: {  	v12 =	vunpack.i.u.s16.s32 v9;
	v9 =	vunpack.i.l.s16.s32 v9;
	v2 =	vld [tilespmem:s7+$0x0];
	v5 =	vpack.i.b32.b16 v10, v5;
	[tilespmem:s24+$0x60] =	vst v1;
	s24 =	sadd.s32 $0x200, s24;
	(pc) =	sbr.rel @p0 .LBB1_4-.Ltmp3, $4  }
0x4a: {  	v6 =	vpack.i.b32.b16 v6, v3;
	v1 =	vunpack.i.u.s16.s32 v8;
	v8 =	vunpack.i.l.s16.s32 v8;
	v0 =	vld [tilespmem:s1+$0x0];
	[tilespmem:s24+$0x70] =	vst v5  }
0x4b: {  	v8 =	vpack.i.b32.b16 v8, v9;
	v5 =	vunpack.i.u.s16.s32 v7;
	v9 =	vunpack.i.l.s16.s32 v7;
	v3 =	vld [tilespmem:s18+$0x0];
	[tilespmem:s24+$0xFFFFE070] =	vst v6  }
0x4c: {  	v6 =	vpack.i.b32.b16 v1, v12;
	[tilespmem:s24+$0xFFFFE000] =	vst v8;
	v7 =	vunpack.i.u.s16.s32 v11;
	v8 =	vunpack.i.l.s16.s32 v11;
	v1 =	vld [tilespmem:s6+$0x0]  }
0x4d: {  	[tilespmem:s24+$0x0] =	vst v6;
	v9 =	vpack.i.b32.b16 v8, v9;
	v6 =	vunpack.i.u.s16.s32 v4;
	v8 =	vunpack.i.l.s16.s32 v4;
	v4 =	vld [tilespmem:s4+$0x0]  }
0x4e: {  	[tilespmem:s24+$0xFFFFE010] =	vst v9;
	v5 =	vpack.i.b32.b16 v7, v5;
	v34 =	vunpack.i.l.s16.s32 v2;
	v35 =	vld [tilespmem:s31+$0x0]  }
0x4f: {  	v36 =	vunpack.i.u.s16.s32 v2;
	v38 =	vld [tilespmem:s30+$0x0];
	[tilespmem:s24+$0x10] =	vst v5;
	v37 =	vpack.i.b32.b16 v34, v8  }
0x50: {  	v41 =	vld [tilespmem:s29+$0x0];
	v39 =	vunpack.i.l.s16.s32 v0;
	v2 =	vpack.i.b32.b16 v36, v6;
	[tilespmem:s24+$0xFFFFE020] =	vst v37;
	v40 =	vunpack.i.l.s16.s32 v3  }
0x51: {  	v45 =	vld [tilespmem:s28+$0x0];
	v42 =	vunpack.i.u.s16.s32 v0;
	v43 =	vunpack.i.u.s16.s32 v3;
	[tilespmem:s24+$0x20] =	vst v2;
	v44 =	vpack.i.b32.b16 v40, v39  }
0x52: {  	v46 =	vunpack.i.l.s16.s32 v1;
	v0 =	vpack.i.b32.b16 v43, v42;
	[tilespmem:s24+$0xFFFFE030] =	vst v44;
	v47 =	vunpack.i.l.s16.s32 v4  }
0x53: {  	v48 =	vunpack.i.u.s16.s32 v1;
	v49 =	vunpack.i.u.s16.s32 v4;
	[tilespmem:s24+$0x30] =	vst v0;
	v50 =	vpack.i.b32.b16 v47, v46  }
0x54: {  	p0 =	slt.u32 s23, $0xE;
	v51 =	vunpack.i.l.s16.s32 v35;
	v52 =	vpack.i.b32.b16 v49, v48;
	v53 =	vunpack.i.l.s16.s32 v38;
	[tilespmem:s24+$0xFFFFE040] =	vst v50  }
.Ltmp4:
0x55: {  	v54 =	vunpack.i.u.s16.s32 v35;
	v55 =	vunpack.i.u.s16.s32 v38;
	[tilespmem:s24+$0x40] =	vst v52;
	v56 =	vpack.i.b32.b16 v53, v51;
	(pc) =	sbr.rel @p0 .LBB1_3-.Ltmp4, $4  }
0x56: {  	v57 =	vunpack.i.l.s16.s32 v41;
	v59 =	vunpack.i.l.s16.s32 v45;
	v58 =	vpack.i.b32.b16 v55, v54;
	[tilespmem:s24+$0xFFFFE050] =	vst v56  }
0x57: {  	v60 =	vunpack.i.u.s16.s32 v41;
	v61 =	vunpack.i.u.s16.s32 v45;
	v62 =	vpack.i.b32.b16 v59, v57;
	[tilespmem:s24+$0x50] =	vst v58  }
0x58: {  	s0 =	sadd.s32 $0x2, s23;
	v63 =	vpack.i.b32.b16 v61, v60;
	[tilespmem:s24+$0xFFFFE060] =	vst v62  }
0x59: {  	s22 =	sadd.s32 $0x800, s22;
	s21 =	sadd.s32 $0x1, s21;
	s23 =	smov.u32 s0;
	[tilespmem:s24+$0x60] =	vst v63  }
0x5a: {  	p0 =	sgt.s32 s12, $0xF;
	s0 =	smov.u32 s12  }
0x5b: {  	s1 =	sshra.s32 s12, $0x1F;
	s2 =	smov.u32 s11;
	s4 =	rddreg [dreg:$0x4]  }
0x5c: {  	s3 =	sshra.s32 s11, $0x1F;
	s26 =	sshll.u32 s12, $0x10;
	s31 =	rddreg [dreg:$0x7]  }
0x5d: {  	s27 =	sshll.u32 s11, $0x6;
	s28 =	sshll.u32 s11, $0x3;
	s5 =	rddreg [dreg:$0x2]  }
0x5e: {  	s29 =	simm.s32 $0x2000;
	s30 =	simm.s32 $0x80000;
	s6 =	rddreg [dreg:$0x3]  }
0x5f: {  	s0 =	simm.s32 @!p0 $0xF;
	s1 =	sand.u32 s1, s12;
	p0 =	sgt.s32 s11, $0x3F0  }
0x60: {  	s25 =	sand.u32 s3, s11;
	s0 =	ssub.s32 s0, s1;
	s2 =	simm.s32 @!p0 $0x3F0  }
0x61: {  	s8 =	stileid.u32;
	s0 =	sadd.s32 $0xFFFFFFF1, s0;
	s1 =	ssub.s32 s2, s25  }
0x62: {  	p0 =	sgt.s32 s0, $0x0;
	s2 =	sadd.s32 $0xFFFFFC10, s1;
	s0 =	sshll.u32 s0, $0x9  }
0x63: {  	s1 =	ssub.s32 $0x400, s1;
	p1 =	sgt.s32 s2, $0xF;
	s0 =	ssub.s32 $0x200, s0  }
.Ltmp5:
0x64: {  	s1 =	simm.s32 @p1 $0x0;
	s0 =	simm.s32 @p0 $0x0;
	(pc) =	sbr.rel .LBB1_7-.Ltmp5, $4  }
0x65: {  	s2 =	sand.u32 $0xFE00, s27;
	s0 =	smul.u32 s1, s0;
	s1 =	sadd.s32 s4, s26  }
0x66: {  	s9 =	rddreg [dreg:$0x5];
	s3 =	sand.u32 $0x30, s28;
	s1 =	sadd.s32 s2, s1  }
0x67: {  	s7 =	rddreg [dreg:$0x6];
	s0 =	sand.u32 $0x3FFFFE00, s0;
	s1 =	sadd.s32 s3, s1  }
0x68: {  	[hbm4b:s1+s29] =	stream.strided.scatter [tilespmem:s31], [sflag:$0x2], s0, s30, s29, $0x38;
	[tilespmem:$0x10000] =	vst v63  }
.LBB1_8:
0x69: {  	_ =	sfence.sel $0x180000  }
0x6a: {  	s0 =	simm.s32 $0x1;
	[bflag:$0x0] =	sbarrier.arrive $0xFFFF  }
0x6b: {  	s31 =	simm.s32 $0x2;
	[sflag:s0] =	ssyncpa.u1 $0x1  }
0x6c: {  	[sflag:s31] =	ssyncpa.u1 $0x1  }
0x6d: {  	_ =	strace $0x90000047  }
0x6e: {  	[bflag:$0x2] =	sbarrier.arrive $0xFFFF  }
0x6f: {  	p0 =	sne.s32 s8, $0x0;
	s0 =	rddreg [dreg:$0x1]  }
0x70: {  	s0 =	sadd.s32 @!p0 $0x100000, s0  }
0x71: {  	[sflag:s0] =	ssyncadd.tile.s32 @!p0 $0x1;
	_ =	shalt  }
.Lfunc_end1:
_tile_overlayer_lowered:
.L_overlay_start_2:
0x72: {  	(tag) =	ssettag $0x2  }
0x73: {  	s0 =	rddreg [dreg:$0x0];
	s2 =	stileid.u32  }
0x74: {  	s1 =	rddreg [dreg:$0x1];
	p0 =	sne.s32 s2, $0x0  }
0x75: {  	s3 =	rddreg [dreg:$0x2];
	[bflag:$0x3] =	sbarrier.arrive $0xFFFF;
	s2 =	simm.s32 @!p0 $0x1C01  }
0x76: {  	[timem:s3], [sflag:s2] =	dma.local @!p0 [hbm:s0], s1  }
0x77: {  	s0 =	simm.s32 @!p0 $0x1  }
0x78: {  	_ =	swait.ge @!p0 [sflag:s0], s1  }
0x79: {  	s1 =	ssub.s32 @!p0 $0x0, s1;
	[sflag:s0] =	ssyncset.done @!p0 $0x0  }
0x7a: {  	[sflag:s0] =	ssyncadd.s32 @!p0 s1  }
0x7b: {  	[bflag:$0x3] =	sbarrier.arrive $0xFFFF  }
0x7c: {  	_ =	shalt  }

</sc_bundles>
